<compile_context>
chip_gen: v7x
topology: tpu7x:2x2x1
jax: 0.10.2.dev20260603
libtpu: 0.0.44.dev20260713+nightly
codegen_flags: <defaults>
</compile_context>

<pallas_src>
import functools

import jax
import jax.numpy as jnp
from jax import lax
from jax.experimental import pallas as pl
from jax.experimental.pallas import tpu as pltpu
from jax.experimental.pallas import tpu_sc as plsc

_IM_FE_RATIO = 4.0
_PP = 2


@functools.lru_cache(maxsize=None)
def _build_sc_kernel(B, C, H, W, N):
    info = plsc.get_sparse_core_info()
    NC, NS, L = info.num_cores, info.num_subcores, info.num_lanes
    NW = NC * NS
    P = B * C
    assert P % NW == 0
    planes_per_w = P // NW
    assert C % planes_per_w == 0
    assert N % L == 0
    n_groups = planes_per_w // _PP
    assert n_groups * _PP == planes_per_w and n_groups % 2 == 0

    mesh = plsc.VectorSubcoreMesh(core_axis_name="c", subcore_axis_name="s")

    @functools.partial(
        pl.kernel,
        out_type=jax.ShapeDtypeStruct((P, N), jnp.float32),
        mesh=mesh,
        compiler_params=pltpu.CompilerParams(needs_layout_passes=False),
        scratch_types=[
            pltpu.VMEM((N,), jnp.float32),
            pltpu.VMEM((N,), jnp.float32),
            pltpu.VMEM((N,), jnp.int32),
            pltpu.VMEM((N,), jnp.float32),
            pltpu.VMEM((N,), jnp.float32),
            pltpu.VMEM((_PP, H, W), jnp.float32),
            pltpu.VMEM((_PP, H, W), jnp.float32),
            pltpu.VMEM((_PP * N,), jnp.float32),
            pltpu.VMEM((_PP * N,), jnp.float32),
            pltpu.SemaphoreType.DMA,
            pltpu.SemaphoreType.DMA,
            pltpu.SemaphoreType.DMA,
            pltpu.SemaphoreType.DMA,
        ],
    )
    def sc_kernel(feat_hbm, kpx_hbm, kpy_hbm, out_hbm,
                  kpx_v, kpy_v, idx_v, ca_v, cu_v, buf_a, buf_b,
                  obuf_a, obuf_b, sem_a, sem_b, sem_oa, sem_ob):
        cid = lax.axis_index("c")
        sid = lax.axis_index("s")
        wid = sid * NC + cid
        p_lo = wid * planes_per_w
        b = p_lo // C
        c_lo = p_lo - b * C

        pltpu.sync_copy(kpx_hbm.at[b], kpx_v)
        pltpu.sync_copy(kpy_hbm.at[b], kpy_v)

        def start_group(g, buf, sem):
            pltpu.async_copy(
                feat_hbm.at[b, pl.ds(c_lo + g * _PP, _PP)], buf, sem)

        def wait_group(buf, sem):
            pltpu.make_async_copy(
                feat_hbm.at[b, pl.ds(c_lo, _PP)], buf, sem).wait()

        def start_out(g, obuf, sem):
            for j in range(_PP):
                pltpu.async_copy(obuf.at[pl.ds(j * N, N)],
                                 out_hbm.at[p_lo + g * _PP + j], sem)

        def wait_out(obuf, sem):
            for j in range(_PP):
                pltpu.make_async_copy(obuf.at[pl.ds(j * N, N)],
                                      out_hbm.at[p_lo + j], sem).wait()

        start_group(0, buf_a, sem_a)

        inv_ratio = jnp.float32(1.0 / _IM_FE_RATIO)

        @plsc.parallel_loop(0, N, step=L, unroll=2)
        def precompute(kb):
            x = kpx_v[pl.ds(kb, L)]
            y = kpy_v[pl.ds(kb, L)]
            code = ((x > 1e-10).astype(jnp.int32)
                    + (y > 1e-10).astype(jnp.int32))
            mask = code.astype(jnp.float32) * jnp.float32(0.5)
            xs = x * inv_ratio
            ys = y * inv_ratio
            fxi = jnp.maximum(xs.astype(jnp.int32), 0)
            fyi = jnp.maximum(ys.astype(jnp.int32), 0)
            fxf = fxi.astype(jnp.float32)
            fyf = fyi.astype(jnp.float32)
            ux = xs - fxf
            uy = ys - fyf
            cxi = jnp.minimum(fxi + (xs > fxf).astype(jnp.int32), W - 1)
            cyi = jnp.minimum(fyi + (ys > fyf).astype(jnp.int32), H - 1)
            idx_v[pl.ds(kb, L)] = (fyi | (cyi << 7) | (fxi << 14)
                                   | (cxi << 21) | (code << 28))
            ca_v[pl.ds(kb, L)] = ux * mask
            cu_v[pl.ds(kb, L)] = uy

        def compute_group(buf, obuf):
            @plsc.parallel_loop(0, N, step=L, unroll=4)
            def chunk(kb):
                pc = idx_v[pl.ds(kb, L)]
                m7 = jnp.int32(127)
                fy = pc & m7
                cy = (pc >> 7) & m7
                fx = (pc >> 14) & m7
                cx = (pc >> 21) & m7
                av = ca_v[pl.ds(kb, L)]
                uy = cu_v[pl.ds(kb, L)]
                m = (pc >> 28).astype(jnp.float32) * jnp.float32(0.5)
                lxm = m - av
                ly = jnp.float32(1.0) - uy
                for j in range(_PP):
                    pj = buf.at[j]
                    r0 = (plsc.load_gather(pj, [fy, fx]) * lxm
                          + plsc.load_gather(pj, [fy, cx]) * av)
                    r1 = (plsc.load_gather(pj, [cy, fx]) * lxm
                          + plsc.load_gather(pj, [cy, cx]) * av)
                    obuf[pl.ds(j * N + kb, L)] = r0 * ly + r1 * uy

        def pair_loop(i, carry):
            g0 = 2 * i
            wait_group(buf_a, sem_a)
            start_group(g0 + 1, buf_b, sem_b)

            @pl.when(i > 0)
            def _():
                wait_out(obuf_a, sem_oa)

            compute_group(buf_a, obuf_a)
            start_out(g0, obuf_a, sem_oa)

            wait_group(buf_b, sem_b)

            @pl.when(i < n_groups // 2 - 1)
            def _():
                start_group(g0 + 2, buf_a, sem_a)

            @pl.when(i > 0)
            def _():
                wait_out(obuf_b, sem_ob)

            compute_group(buf_b, obuf_b)
            start_out(g0 + 1, obuf_b, sem_ob)
            return carry

        lax.fori_loop(0, n_groups // 2, pair_loop, 0)
        wait_out(obuf_a, sem_oa)
        wait_out(obuf_b, sem_ob)

    return sc_kernel


def kernel(feature, keypoints):
    B, C, H, W = feature.shape
    N = keypoints.shape[1]
    kpx = keypoints[:, :, 0]
    kpy = keypoints[:, :, 1]
    out = _build_sc_kernel(B, C, H, W, N)(feature, kpx, kpy)
    return out.reshape(B, C, N)

# --- scband reference (transcript-rebuilt; emitter-appended) ---
"""Pipeline reference for scband-inver-interpolator-8693013807472 (READ-ONLY COPY).

The authoritative reference and input builder live on the scoring server;
editing this copy changes nothing except your own understanding.
"""

import jax, jax.numpy as jnp
import numpy as np

IM_FE_RATIO = 4.0

def setup_inputs(seed: int = 0) -> dict:
    key = jax.random.key(seed)
    k1, k2 = jax.random.split(key)
    feature = jax.random.normal(k1, (4, 256, 128, 128), dtype=jnp.float32)
    keypoints = jax.random.randint(k2, (4, 4096, 2), 0, 512).astype(jnp.float32)
    return {"feature": feature, "keypoints": keypoints}

def reference(feature, keypoints):
    B, C, H, W = feature.shape
    feat = feature.reshape(B, C, H * W)
    kp = keypoints / IM_FE_RATIO
    N = kp.shape[1]
    maxXY = jnp.array([W - 1, H - 1], dtype=jnp.float32)
    minXY = jnp.zeros((2,), dtype=jnp.float32)
    iLower = jnp.maximum(jnp.floor(kp), minXY)
    iUpper = jnp.minimum(jnp.ceil(kp), maxXY)
    upper = kp - iLower
    lower = 1.0 - upper
    iX = jnp.stack([iLower[:, :, 0], iUpper[:, :, 0]], axis=2)
    iY = jnp.stack([iLower[:, :, 1], iUpper[:, :, 1]], axis=2)
    xX = jnp.stack([lower[:, :, 0], upper[:, :, 0]], axis=2)
    yY = jnp.stack([lower[:, :, 1], upper[:, :, 1]], axis=2)
    iX4 = jnp.broadcast_to(iX[:, :, None, :], (B, N, 2, 2)).reshape(B, N, 4).astype(jnp.int32)
    iY4 = jnp.swapaxes(jnp.broadcast_to(iY[:, :, None, :], (B, N, 2, 2)), 2, 3).reshape(B, N, 4).astype(jnp.int32)
    xX4 = jnp.broadcast_to(xX[:, :, None, :], (B, N, 2, 2)).reshape(B, N, 4)
    yY4 = jnp.swapaxes(jnp.broadcast_to(yY[:, :, None, :], (B, N, 2, 2)), 2, 3).reshape(B, N, 4)
    coeff = (xX4 * yY4).reshape(B, N * 4)
    indices = (iY4 * W + iX4).reshape(B, N * 4)
    idx = jnp.broadcast_to(indices[:, None, :], (B, C, N * 4))
    UF = jnp.take_along_axis(feat, idx, axis=2)
    UF = UF * coeff[:, None, :]
    UF = UF.reshape(B, C, N, 4).sum(axis=3)
    mask = (keypoints[:, :, :2] > 1e-10).astype(jnp.float32).mean(axis=2)
    UF = UF * mask[:, None, :]
    return UF

if __name__ == "__main__":
    import jax
    _d = setup_inputs()
    print(jax.jit(kernel)(*tuple(_d.values())))

</pallas_src>

<mosaic_0001>
#map = affine_map<(d0, d1) -> (0, 0, 0, 0)>
#map1 = affine_map<(d0, d1) -> (0, 0)>
module attributes {stable_mosaic.version = 14 : i64} {
  func.func @sc_kernel(%arg0: i32, %arg1: i32, %arg2: memref<4x256x128x128xf32, #tpu.memory_space<hbm>>, %arg3: memref<4x4096xf32, #tpu.memory_space<hbm>>, %arg4: memref<4x4096xf32, #tpu.memory_space<hbm>>, %arg5: memref<1024x4096xf32, #tpu.memory_space<hbm>>, %arg6: memref<4096xf32, #tpu.memory_space<vmem>>, %arg7: memref<4096xf32, #tpu.memory_space<vmem>>, %arg8: memref<4096xi32, #tpu.memory_space<vmem>>, %arg9: memref<4096xf32, #tpu.memory_space<vmem>>, %arg10: memref<4096xf32, #tpu.memory_space<vmem>>, %arg11: memref<2x128x128xf32, #tpu.memory_space<vmem>>, %arg12: memref<2x128x128xf32, #tpu.memory_space<vmem>>, %arg13: memref<8192xf32, #tpu.memory_space<vmem>>, %arg14: memref<8192xf32, #tpu.memory_space<vmem>>, %arg15: memref<!tpu.dma_semaphore, #tpu.memory_space<semaphore_mem>>, %arg16: memref<!tpu.dma_semaphore, #tpu.memory_space<semaphore_mem>>, %arg17: memref<!tpu.dma_semaphore, #tpu.memory_space<semaphore_mem>>, %arg18: memref<!tpu.dma_semaphore, #tpu.memory_space<semaphore_mem>>) attributes {dimension_semantics = [#tpu.dimension_semantics<core_parallel>, #tpu.dimension_semantics<subcore_parallel>], iteration_bounds = array<i64: 2, 16>, scalar_prefetch = 0 : i64, scratch_operands = 13 : i64, tpu.core_type = #tpu.core_type<sc_vector_subcore>, window_params = [{transform_indices = #map}, {transform_indices = #map1}, {transform_indices = #map1}, {transform_indices = #map1}]} {
    %mul3A = arith.constant 2 : i32
    %mul3A_0 = arith.muli %arg1, %mul3A : i32
    %add3A = arith.addi %mul3A_0, %arg0 : i32
    %mul3A_1 = arith.constant 32 : i32
    %mul3A_2 = arith.muli %add3A, %mul3A_1 : i32
    %jit3A = arith.constant 256 : i32
    %div3A = arith.divsi %mul3A_2, %jit3A : i32
    %sign3A = arith.constant 0 : i32
    %sign3A_3 = arith.cmpi sgt, %mul3A_2, %sign3A : i32
    %sign3A_4 = arith.extui %sign3A_3 : i1 to i32
    %sign3A_5 = arith.constant 0 : i32
    %sign3A_6 = arith.cmpi slt, %mul3A_2, %sign3A_5 : i32
    %sign3A_7 = arith.extui %sign3A_6 : i1 to i32
    %sign3A_8 = arith.subi %sign3A_4, %sign3A_7 : i32
    %sign3A_9 = arith.constant 0 : i32
    %sign3A_10 = arith.cmpi sgt, %jit3A, %sign3A_9 : i32
    %sign3A_11 = arith.extui %sign3A_10 : i1 to i32
    %sign3A_12 = arith.constant 0 : i32
    %sign3A_13 = arith.cmpi slt, %jit3A, %sign3A_12 : i32
    %sign3A_14 = arith.extui %sign3A_13 : i1 to i32
    %sign3A_15 = arith.subi %sign3A_11, %sign3A_14 : i32
    %ne3A = arith.cmpi ne, %sign3A_8, %sign3A_15 : i32
    %rem3A = arith.remsi %mul3A_2, %jit3A : i32
    %ne3A_16 = arith.constant 0 : i32
    %ne3A_17 = arith.cmpi ne, %rem3A, %ne3A_16 : i32
    %and3A = arith.andi %ne3A, %ne3A_17 : i1
    %sub3A = arith.constant 1 : i32
    %sub3A_18 = arith.subi %div3A, %sub3A : i32
    %select_n3A = arith.select %and3A, %sub3A_18, %div3A : i32
    %mul3A_19 = arith.constant 256 : i32
    %mul3A_20 = arith.muli %select_n3A, %mul3A_19 : i32
    %sub3A_21 = arith.subi %mul3A_2, %mul3A_20 : i32
    "tpu.region"() ({
      %run_scoped3A = tpu.sem_alloc : memref<!tpu.dma_semaphore, #tpu.memory_space<semaphore_mem>>
      %dma_start3A_86 = arith.constant 0 : i32
      %dma_start3A_87 = tpu.memref_slice %arg3[%select_n3A, %dma_start3A_86] : memref<4x4096xf32, #tpu.memory_space<hbm>> -> memref<1x4096xf32, #tpu.memory_space<hbm>>
      %dma_start3A_88 = tpu.memref_squeeze %dma_start3A_87 : memref<1x4096xf32, #tpu.memory_space<hbm>> -> memref<4096xf32, #tpu.memory_space<hbm>>
      %dma_start3A_89 = arith.constant 0 : i32
      %dma_start3A_90 = tpu.memref_slice %arg3[%select_n3A, %dma_start3A_89] : memref<4x4096xf32, #tpu.memory_space<hbm>> -> memref<1x4096xf32, #tpu.memory_space<hbm>>
      %dma_start3A_91 = tpu.memref_squeeze %dma_start3A_90 : memref<1x4096xf32, #tpu.memory_space<hbm>> -> memref<4096xf32, #tpu.memory_space<hbm>>
      tpu.enqueue_dma source(%dma_start3A_91 : memref<4096xf32, #tpu.memory_space<hbm>>) target(%arg6 : memref<4096xf32, #tpu.memory_space<vmem>>) target_semaphore(%run_scoped3A : memref<!tpu.dma_semaphore, #tpu.memory_space<semaphore_mem>>)
      %dma_wait3A_92 = arith.constant 0 : i32
      %dma_wait3A_93 = tpu.memref_slice %arg3[%select_n3A, %dma_wait3A_92] : memref<4x4096xf32, #tpu.memory_space<hbm>> -> memref<1x4096xf32, #tpu.memory_space<hbm>>
      %dma_wait3A_94 = tpu.memref_squeeze %dma_wait3A_93 : memref<1x4096xf32, #tpu.memory_space<hbm>> -> memref<4096xf32, #tpu.memory_space<hbm>>
      %dma_wait3A_95 = arith.constant 0 : i32
      %dma_wait3A_96 = tpu.memref_slice %arg3[%select_n3A, %dma_wait3A_95] : memref<4x4096xf32, #tpu.memory_space<hbm>> -> memref<1x4096xf32, #tpu.memory_space<hbm>>
      %dma_wait3A_97 = tpu.memref_squeeze %dma_wait3A_96 : memref<1x4096xf32, #tpu.memory_space<hbm>> -> memref<4096xf32, #tpu.memory_space<hbm>>
      tpu.wait_dma2 semaphore(%run_scoped3A : memref<!tpu.dma_semaphore, #tpu.memory_space<semaphore_mem>>) src(%dma_wait3A_97 : memref<4096xf32, #tpu.memory_space<hbm>>) dst(%arg6 : memref<4096xf32, #tpu.memory_space<vmem>>)
      tpu.yield
    }) : () -> ()
    "tpu.region"() ({
      %run_scoped3A = tpu.sem_alloc : memref<!tpu.dma_semaphore, #tpu.memory_space<semaphore_mem>>
      %dma_start3A_86 = arith.constant 0 : i32
      %dma_start3A_87 = tpu.memref_slice %arg4[%select_n3A, %dma_start3A_86] : memref<4x4096xf32, #tpu.memory_space<hbm>> -> memref<1x4096xf32, #tpu.memory_space<hbm>>
      %dma_start3A_88 = tpu.memref_squeeze %dma_start3A_87 : memref<1x4096xf32, #tpu.memory_space<hbm>> -> memref<4096xf32, #tpu.memory_space<hbm>>
      %dma_start3A_89 = arith.constant 0 : i32
      %dma_start3A_90 = tpu.memref_slice %arg4[%select_n3A, %dma_start3A_89] : memref<4x4096xf32, #tpu.memory_space<hbm>> -> memref<1x4096xf32, #tpu.memory_space<hbm>>
      %dma_start3A_91 = tpu.memref_squeeze %dma_start3A_90 : memref<1x4096xf32, #tpu.memory_space<hbm>> -> memref<4096xf32, #tpu.memory_space<hbm>>
      tpu.enqueue_dma source(%dma_start3A_91 : memref<4096xf32, #tpu.memory_space<hbm>>) target(%arg7 : memref<4096xf32, #tpu.memory_space<vmem>>) target_semaphore(%run_scoped3A : memref<!tpu.dma_semaphore, #tpu.memory_space<semaphore_mem>>)
      %dma_wait3A_92 = arith.constant 0 : i32
      %dma_wait3A_93 = tpu.memref_slice %arg4[%select_n3A, %dma_wait3A_92] : memref<4x4096xf32, #tpu.memory_space<hbm>> -> memref<1x4096xf32, #tpu.memory_space<hbm>>
      %dma_wait3A_94 = tpu.memref_squeeze %dma_wait3A_93 : memref<1x4096xf32, #tpu.memory_space<hbm>> -> memref<4096xf32, #tpu.memory_space<hbm>>
      %dma_wait3A_95 = arith.constant 0 : i32
      %dma_wait3A_96 = tpu.memref_slice %arg4[%select_n3A, %dma_wait3A_95] : memref<4x4096xf32, #tpu.memory_space<hbm>> -> memref<1x4096xf32, #tpu.memory_space<hbm>>
      %dma_wait3A_97 = tpu.memref_squeeze %dma_wait3A_96 : memref<1x4096xf32, #tpu.memory_space<hbm>> -> memref<4096xf32, #tpu.memory_space<hbm>>
      tpu.wait_dma2 semaphore(%run_scoped3A : memref<!tpu.dma_semaphore, #tpu.memory_space<semaphore_mem>>) src(%dma_wait3A_97 : memref<4096xf32, #tpu.memory_space<hbm>>) dst(%arg7 : memref<4096xf32, #tpu.memory_space<vmem>>)
      tpu.yield
    }) : () -> ()
    %add3A_22 = arith.constant 0 : i32
    %add3A_23 = arith.addi %sub3A_21, %add3A_22 : i32
    %dma_start3A = arith.constant 0 : i32
    %dma_start3A_24 = arith.constant 0 : i32
    %dma_start3A_25 = tpu.memref_slice %arg2[%select_n3A, %add3A_23, %dma_start3A, %dma_start3A_24] : memref<4x256x128x128xf32, #tpu.memory_space<hbm>> -> memref<1x2x128x128xf32, #tpu.memory_space<hbm>>
    %dma_start3A_26 = tpu.memref_squeeze %dma_start3A_25 : memref<1x2x128x128xf32, #tpu.memory_space<hbm>> -> memref<2x128x128xf32, #tpu.memory_space<hbm>>
    %dma_start3A_27 = arith.constant 0 : i32
    %dma_start3A_28 = arith.constant 0 : i32
    %dma_start3A_29 = tpu.memref_slice %arg2[%select_n3A, %add3A_23, %dma_start3A_27, %dma_start3A_28] : memref<4x256x128x128xf32, #tpu.memory_space<hbm>> -> memref<1x2x128x128xf32, #tpu.memory_space<hbm>>
    %dma_start3A_30 = tpu.memref_squeeze %dma_start3A_29 : memref<1x2x128x128xf32, #tpu.memory_space<hbm>> -> memref<2x128x128xf32, #tpu.memory_space<hbm>>
    tpu.enqueue_dma source(%dma_start3A_30 : memref<2x128x128xf32, #tpu.memory_space<hbm>>) target(%arg11 : memref<2x128x128xf32, #tpu.memory_space<vmem>>) target_semaphore(%arg15 : memref<!tpu.dma_semaphore, #tpu.memory_space<semaphore_mem>>)
    %parallel_loop3A = arith.constant 0 : i32
    %parallel_loop3A_31 = arith.constant 4096 : i32
    %parallel_loop3A_32 = arith.constant 16 : i32
    %parallel_loop3A_33 = arith.constant 2.500000e-01 : f32
    scf.for %parallel_loop3A_86 = %parallel_loop3A to %parallel_loop3A_31 step %parallel_loop3A_32  : i32 {
      %parallel_loop3A_87 = arith.index_cast %parallel_loop3A_86 : i32 to index
      %parallel_loop3A_88 = tpu.vector_load %arg6[%parallel_loop3A_87] {strides = array<i32>} : memref<4096xf32, #tpu.memory_space<vmem>>, vector<16xf32>,
      %parallel_loop3A_89 = arith.index_cast %parallel_loop3A_86 : i32 to index
      %parallel_loop3A_90 = tpu.vector_load %arg7[%parallel_loop3A_89] {strides = array<i32>} : memref<4096xf32, #tpu.memory_space<vmem>>, vector<16xf32>,
      %parallel_loop3A_91 = arith.constant 1.000000e-10 : f32
      %parallel_loop3A_92 = vector.broadcast %parallel_loop3A_91 : f32 to vector<16xf32>
      %parallel_loop3A_93 = arith.cmpf ogt, %parallel_loop3A_88, %parallel_loop3A_92 : vector<16xf32>
      %parallel_loop3A_94 = arith.extui %parallel_loop3A_93 : vector<16xi1> to vector<16xi32>
      %parallel_loop3A_95 = arith.constant 1.000000e-10 : f32
      %parallel_loop3A_96 = vector.broadcast %parallel_loop3A_95 : f32 to vector<16xf32>
      %parallel_loop3A_97 = arith.cmpf ogt, %parallel_loop3A_90, %parallel_loop3A_96 : vector<16xf32>
      %parallel_loop3A_98 = arith.extui %parallel_loop3A_97 : vector<16xi1> to vector<16xi32>
      %parallel_loop3A_99 = arith.addi %parallel_loop3A_94, %parallel_loop3A_98 : vector<16xi32>
      %parallel_loop3A_100 = arith.sitofp %parallel_loop3A_99 : vector<16xi32> to vector<16xf32>
      %parallel_loop3A_101 = arith.constant 5.000000e-01 : f32
      %parallel_loop3A_102 = vector.broadcast %parallel_loop3A_101 : f32 to vector<16xf32>
      %parallel_loop3A_103 = arith.mulf %parallel_loop3A_100, %parallel_loop3A_102 : vector<16xf32>
      %parallel_loop3A_104 = vector.broadcast %parallel_loop3A_33 : f32 to vector<16xf32>
      %parallel_loop3A_105 = arith.mulf %parallel_loop3A_88, %parallel_loop3A_104 : vector<16xf32>
      %parallel_loop3A_106 = vector.broadcast %parallel_loop3A_33 : f32 to vector<16xf32>
      %parallel_loop3A_107 = arith.mulf %parallel_loop3A_90, %parallel_loop3A_106 : vector<16xf32>
      %parallel_loop3A_108 = arith.fptosi %parallel_loop3A_105 : vector<16xf32> to vector<16xi32>
      %parallel_loop3A_109 = arith.constant 0 : i32
      %parallel_loop3A_110 = vector.broadcast %parallel_loop3A_109 : i32 to vector<16xi32>
      %parallel_loop3A_111 = arith.maxsi %parallel_loop3A_108, %parallel_loop3A_110 : vector<16xi32>
      %parallel_loop3A_112 = arith.fptosi %parallel_loop3A_107 : vector<16xf32> to vector<16xi32>
      %parallel_loop3A_113 = arith.constant 0 : i32
      %parallel_loop3A_114 = vector.broadcast %parallel_loop3A_113 : i32 to vector<16xi32>
      %parallel_loop3A_115 = arith.maxsi %parallel_loop3A_112, %parallel_loop3A_114 : vector<16xi32>
      %parallel_loop3A_116 = arith.sitofp %parallel_loop3A_111 : vector<16xi32> to vector<16xf32>
      %parallel_loop3A_117 = arith.sitofp %parallel_loop3A_115 : vector<16xi32> to vector<16xf32>
      %parallel_loop3A_118 = arith.subf %parallel_loop3A_105, %parallel_loop3A_116 : vector<16xf32>
      %parallel_loop3A_119 = arith.subf %parallel_loop3A_107, %parallel_loop3A_117 : vector<16xf32>
      %parallel_loop3A_120 = arith.cmpf ogt, %parallel_loop3A_105, %parallel_loop3A_116 : vector<16xf32>
      %parallel_loop3A_121 = arith.extui %parallel_loop3A_120 : vector<16xi1> to vector<16xi32>
      %parallel_loop3A_122 = arith.addi %parallel_loop3A_111, %parallel_loop3A_121 : vector<16xi32>
      %parallel_loop3A_123 = arith.constant 127 : i32
      %parallel_loop3A_124 = vector.broadcast %parallel_loop3A_123 : i32 to vector<16xi32>
      %parallel_loop3A_125 = arith.minsi %parallel_loop3A_122, %parallel_loop3A_124 : vector<16xi32>
      %parallel_loop3A_126 = arith.cmpf ogt, %parallel_loop3A_107, %parallel_loop3A_117 : vector<16xf32>
      %parallel_loop3A_127 = arith.extui %parallel_loop3A_126 : vector<16xi1> to vector<16xi32>
      %parallel_loop3A_128 = arith.addi %parallel_loop3A_115, %parallel_loop3A_127 : vector<16xi32>
      %parallel_loop3A_129 = arith.constant 127 : i32
      %parallel_loop3A_130 = vector.broadcast %parallel_loop3A_129 : i32 to vector<16xi32>
      %parallel_loop3A_131 = arith.minsi %parallel_loop3A_128, %parallel_loop3A_130 : vector<16xi32>
      %parallel_loop3A_132 = arith.constant 7 : i32
      %parallel_loop3A_133 = vector.broadcast %parallel_loop3A_132 : i32 to vector<16xi32>
      %parallel_loop3A_134 = arith.shli %parallel_loop3A_131, %parallel_loop3A_133 : vector<16xi32>
      %parallel_loop3A_135 = arith.ori %parallel_loop3A_115, %parallel_loop3A_134 : vector<16xi32>
      %parallel_loop3A_136 = arith.constant 14 : i32
      %parallel_loop3A_137 = vector.broadcast %parallel_loop3A_136 : i32 to vector<16xi32>
      %parallel_loop3A_138 = arith.shli %parallel_loop3A_111, %parallel_loop3A_137 : vector<16xi32>
      %parallel_loop3A_139 = arith.ori %parallel_loop3A_135, %parallel_loop3A_138 : vector<16xi32>
      %parallel_loop3A_140 = arith.constant 21 : i32
      %parallel_loop3A_141 = vector.broadcast %parallel_loop3A_140 : i32 to vector<16xi32>
      %parallel_loop3A_142 = arith.shli %parallel_loop3A_125, %parallel_loop3A_141 : vector<16xi32>
      %parallel_loop3A_143 = arith.ori %parallel_loop3A_139, %parallel_loop3A_142 : vector<16xi32>
      %parallel_loop3A_144 = arith.constant 28 : i32
      %parallel_loop3A_145 = vector.broadcast %parallel_loop3A_144 : i32 to vector<16xi32>
      %parallel_loop3A_146 = arith.shli %parallel_loop3A_99, %parallel_loop3A_145 : vector<16xi32>
      %parallel_loop3A_147 = arith.ori %parallel_loop3A_143, %parallel_loop3A_146 : vector<16xi32>
      %parallel_loop3A_148 = arith.index_cast %parallel_loop3A_86 : i32 to index
      %parallel_loop3A_149 = tpu.vector_load %arg8[%parallel_loop3A_148] {strides = array<i32>} : memref<4096xi32, #tpu.memory_space<vmem>>, vector<16xi32>,
      tpu.vector_store %arg8[%parallel_loop3A_148], %parallel_loop3A_147 {strides = array<i32>} : memref<4096xi32, #tpu.memory_space<vmem>>, vector<16xi32>,
      %parallel_loop3A_150 = arith.mulf %parallel_loop3A_118, %parallel_loop3A_103 : vector<16xf32>
      %parallel_loop3A_151 = arith.index_cast %parallel_loop3A_86 : i32 to index
      %parallel_loop3A_152 = tpu.vector_load %arg9[%parallel_loop3A_151] {strides = array<i32>} : memref<4096xf32, #tpu.memory_space<vmem>>, vector<16xf32>,
      tpu.vector_store %arg9[%parallel_loop3A_151], %parallel_loop3A_150 {strides = array<i32>} : memref<4096xf32, #tpu.memory_space<vmem>>, vector<16xf32>,
      %parallel_loop3A_153 = arith.index_cast %parallel_loop3A_86 : i32 to index
      %parallel_loop3A_154 = tpu.vector_load %arg10[%parallel_loop3A_153] {strides = array<i32>} : memref<4096xf32, #tpu.memory_space<vmem>>, vector<16xf32>,
      tpu.vector_store %arg10[%parallel_loop3A_153], %parallel_loop3A_119 {strides = array<i32>} : memref<4096xf32, #tpu.memory_space<vmem>>, vector<16xf32>,
    } {sc.loop_unroll_factor = 2 : i64, sc.parallel_access}
    %scan3A = arith.constant 0 : i32
    %scan3A_34 = arith.constant 0 : i32
    %scan3A_35 = arith.constant 8 : i32
    %scan3A_36 = arith.addi %scan3A_34, %scan3A_35 : i32
    %scan3A_37 = arith.constant 1 : i32
    scf.for %scan3A_86 = %scan3A_34 to %scan3A_36 step %scan3A_37  : i32 {
      %mul3A_87 = arith.constant 2 : i32
      %mul3A_88 = arith.muli %mul3A_87, %scan3A_86 : i32
      %dma_wait3A_89 = arith.constant 0 : i32
      %dma_wait3A_90 = arith.constant 0 : i32
      %dma_wait3A_91 = tpu.memref_slice %arg2[%select_n3A, %sub3A_21, %dma_wait3A_89, %dma_wait3A_90] : memref<4x256x128x128xf32, #tpu.memory_space<hbm>> -> memref<1x2x128x128xf32, #tpu.memory_space<hbm>>
      %dma_wait3A_92 = tpu.memref_squeeze %dma_wait3A_91 : memref<1x2x128x128xf32, #tpu.memory_space<hbm>> -> memref<2x128x128xf32, #tpu.memory_space<hbm>>
      %dma_wait3A_93 = arith.constant 0 : i32
      %dma_wait3A_94 = arith.constant 0 : i32
      %dma_wait3A_95 = tpu.memref_slice %arg2[%select_n3A, %sub3A_21, %dma_wait3A_93, %dma_wait3A_94] : memref<4x256x128x128xf32, #tpu.memory_space<hbm>> -> memref<1x2x128x128xf32, #tpu.memory_space<hbm>>
      %dma_wait3A_96 = tpu.memref_squeeze %dma_wait3A_95 : memref<1x2x128x128xf32, #tpu.memory_space<hbm>> -> memref<2x128x128xf32, #tpu.memory_space<hbm>>
      tpu.wait_dma2 semaphore(%arg15 : memref<!tpu.dma_semaphore, #tpu.memory_space<semaphore_mem>>) src(%dma_wait3A_96 : memref<2x128x128xf32, #tpu.memory_space<hbm>>) dst(%arg11 : memref<2x128x128xf32, #tpu.memory_space<vmem>>)
      %add3A_97 = arith.constant 1 : i32
      %add3A_98 = arith.addi %mul3A_88, %add3A_97 : i32
      %mul3A_99 = arith.constant 2 : i32
      %mul3A_100 = arith.muli %add3A_98, %mul3A_99 : i32
      %add3A_101 = arith.addi %sub3A_21, %mul3A_100 : i32
      %dma_start3A_102 = arith.constant 0 : i32
      %dma_start3A_103 = arith.constant 0 : i32
      %dma_start3A_104 = tpu.memref_slice %arg2[%select_n3A, %add3A_101, %dma_start3A_102, %dma_start3A_103] : memref<4x256x128x128xf32, #tpu.memory_space<hbm>> -> memref<1x2x128x128xf32, #tpu.memory_space<hbm>>
      %dma_start3A_105 = tpu.memref_squeeze %dma_start3A_104 : memref<1x2x128x128xf32, #tpu.memory_space<hbm>> -> memref<2x128x128xf32, #tpu.memory_space<hbm>>
      %dma_start3A_106 = arith.constant 0 : i32
      %dma_start3A_107 = arith.constant 0 : i32
      %dma_start3A_108 = tpu.memref_slice %arg2[%select_n3A, %add3A_101, %dma_start3A_106, %dma_start3A_107] : memref<4x256x128x128xf32, #tpu.memory_space<hbm>> -> memref<1x2x128x128xf32, #tpu.memory_space<hbm>>
      %dma_start3A_109 = tpu.memref_squeeze %dma_start3A_108 : memref<1x2x128x128xf32, #tpu.memory_space<hbm>> -> memref<2x128x128xf32, #tpu.memory_space<hbm>>
      tpu.enqueue_dma source(%dma_start3A_109 : memref<2x128x128xf32, #tpu.memory_space<hbm>>) target(%arg12 : memref<2x128x128xf32, #tpu.memory_space<vmem>>) target_semaphore(%arg16 : memref<!tpu.dma_semaphore, #tpu.memory_space<semaphore_mem>>)
      %gt3A = arith.constant 0 : i32
      %gt3A_110 = arith.cmpi sgt, %scan3A_86, %gt3A : i32
      %convert_element_type3A = arith.extui %gt3A_110 : i1 to i32
      %cond3A = arith.constant 0 : i32
      %cond3A_111 = arith.cmpi ne, %convert_element_type3A, %cond3A : i32
      scf.if %cond3A_111 {
        %add3A_197 = arith.constant 0 : i32
        %add3A_198 = arith.addi %mul3A_2, %add3A_197 : i32
        %dma_wait3A_199 = arith.constant 0 : i32
        %dma_wait3A_200 = tpu.memref_slice %arg13[%dma_wait3A_199] : memref<8192xf32, #tpu.memory_space<vmem>> -> memref<4096xf32, #tpu.memory_space<vmem>>
        %dma_wait3A_201 = arith.constant 0 : i32
        %dma_wait3A_202 = tpu.memref_slice %arg5[%add3A_198, %dma_wait3A_201] : memref<1024x4096xf32, #tpu.memory_space<hbm>> -> memref<1x4096xf32, #tpu.memory_space<hbm>>
        %dma_wait3A_203 = tpu.memref_squeeze %dma_wait3A_202 : memref<1x4096xf32, #tpu.memory_space<hbm>> -> memref<4096xf32, #tpu.memory_space<hbm>>
        %dma_wait3A_204 = arith.constant 0 : i32
        %dma_wait3A_205 = tpu.memref_slice %arg5[%add3A_198, %dma_wait3A_204] : memref<1024x4096xf32, #tpu.memory_space<hbm>> -> memref<1x4096xf32, #tpu.memory_space<hbm>>
        %dma_wait3A_206 = tpu.memref_squeeze %dma_wait3A_205 : memref<1x4096xf32, #tpu.memory_space<hbm>> -> memref<4096xf32, #tpu.memory_space<hbm>>
        %dma_wait3A_207 = arith.constant 0 : i32
        %dma_wait3A_208 = tpu.memref_slice %arg13[%dma_wait3A_207] : memref<8192xf32, #tpu.memory_space<vmem>> -> memref<4096xf32, #tpu.memory_space<vmem>>
        tpu.wait_dma2 semaphore(%arg17 : memref<!tpu.dma_semaphore, #tpu.memory_space<semaphore_mem>>) src(%dma_wait3A_208 : memref<4096xf32, #tpu.memory_space<vmem>>) dst(%dma_wait3A_206 : memref<4096xf32, #tpu.memory_space<hbm>>)
        %add3A_209 = arith.constant 1 : i32
        %add3A_210 = arith.addi %mul3A_2, %add3A_209 : i32
        %dma_wait3A_211 = arith.constant 4096 : i32
        %dma_wait3A_212 = tpu.memref_slice %arg13[%dma_wait3A_211] : memref<8192xf32, #tpu.memory_space<vmem>> -> memref<4096xf32, #tpu.memory_space<vmem>>
        %dma_wait3A_213 = arith.constant 0 : i32
        %dma_wait3A_214 = tpu.memref_slice %arg5[%add3A_210, %dma_wait3A_213] : memref<1024x4096xf32, #tpu.memory_space<hbm>> -> memref<1x4096xf32, #tpu.memory_space<hbm>>
        %dma_wait3A_215 = tpu.memref_squeeze %dma_wait3A_214 : memref<1x4096xf32, #tpu.memory_space<hbm>> -> memref<4096xf32, #tpu.memory_space<hbm>>
        %dma_wait3A_216 = arith.constant 0 : i32
        %dma_wait3A_217 = tpu.memref_slice %arg5[%add3A_210, %dma_wait3A_216] : memref<1024x4096xf32, #tpu.memory_space<hbm>> -> memref<1x4096xf32, #tpu.memory_space<hbm>>
        %dma_wait3A_218 = tpu.memref_squeeze %dma_wait3A_217 : memref<1x4096xf32, #tpu.memory_space<hbm>> -> memref<4096xf32, #tpu.memory_space<hbm>>
        %dma_wait3A_219 = arith.constant 4096 : i32
        %dma_wait3A_220 = tpu.memref_slice %arg13[%dma_wait3A_219] : memref<8192xf32, #tpu.memory_space<vmem>> -> memref<4096xf32, #tpu.memory_space<vmem>>
        tpu.wait_dma2 semaphore(%arg17 : memref<!tpu.dma_semaphore, #tpu.memory_space<semaphore_mem>>) src(%dma_wait3A_220 : memref<4096xf32, #tpu.memory_space<vmem>>) dst(%dma_wait3A_218 : memref<4096xf32, #tpu.memory_space<hbm>>)
      } else {
      }
      %parallel_loop3A_112 = arith.constant 0 : i32
      %parallel_loop3A_113 = arith.constant 4096 : i32
      %parallel_loop3A_114 = arith.constant 16 : i32
      scf.for %parallel_loop3A_197 = %parallel_loop3A_112 to %parallel_loop3A_113 step %parallel_loop3A_114  : i32 {
        %parallel_loop3A_198 = arith.index_cast %parallel_loop3A_197 : i32 to index
        %parallel_loop3A_199 = tpu.vector_load %arg8[%parallel_loop3A_198] {strides = array<i32>} : memref<4096xi32, #tpu.memory_space<vmem>>, vector<16xi32>,
        %parallel_loop3A_200 = arith.constant 127 : i32
        %parallel_loop3A_201 = vector.broadcast %parallel_loop3A_200 : i32 to vector<16xi32>
        %parallel_loop3A_202 = arith.andi %parallel_loop3A_199, %parallel_loop3A_201 : vector<16xi32>
        %parallel_loop3A_203 = arith.constant 7 : i32
        %parallel_loop3A_204 = vector.broadcast %parallel_loop3A_203 : i32 to vector<16xi32>
        %parallel_loop3A_205 = arith.shrsi %parallel_loop3A_199, %parallel_loop3A_204 : vector<16xi32>
        %parallel_loop3A_206 = arith.constant 127 : i32
        %parallel_loop3A_207 = vector.broadcast %parallel_loop3A_206 : i32 to vector<16xi32>
        %parallel_loop3A_208 = arith.andi %parallel_loop3A_205, %parallel_loop3A_207 : vector<16xi32>
        %parallel_loop3A_209 = arith.constant 14 : i32
        %parallel_loop3A_210 = vector.broadcast %parallel_loop3A_209 : i32 to vector<16xi32>
        %parallel_loop3A_211 = arith.shrsi %parallel_loop3A_199, %parallel_loop3A_210 : vector<16xi32>
        %parallel_loop3A_212 = arith.constant 127 : i32
        %parallel_loop3A_213 = vector.broadcast %parallel_loop3A_212 : i32 to vector<16xi32>
        %parallel_loop3A_214 = arith.andi %parallel_loop3A_211, %parallel_loop3A_213 : vector<16xi32>
        %parallel_loop3A_215 = arith.constant 21 : i32
        %parallel_loop3A_216 = vector.broadcast %parallel_loop3A_215 : i32 to vector<16xi32>
        %parallel_loop3A_217 = arith.shrsi %parallel_loop3A_199, %parallel_loop3A_216 : vector<16xi32>
        %parallel_loop3A_218 = arith.constant 127 : i32
        %parallel_loop3A_219 = vector.broadcast %parallel_loop3A_218 : i32 to vector<16xi32>
        %parallel_loop3A_220 = arith.andi %parallel_loop3A_217, %parallel_loop3A_219 : vector<16xi32>
        %parallel_loop3A_221 = arith.index_cast %parallel_loop3A_197 : i32 to index
        %parallel_loop3A_222 = tpu.vector_load %arg9[%parallel_loop3A_221] {strides = array<i32>} : memref<4096xf32, #tpu.memory_space<vmem>>, vector<16xf32>,
        %parallel_loop3A_223 = arith.index_cast %parallel_loop3A_197 : i32 to index
        %parallel_loop3A_224 = tpu.vector_load %arg10[%parallel_loop3A_223] {strides = array<i32>} : memref<4096xf32, #tpu.memory_space<vmem>>, vector<16xf32>,
        %parallel_loop3A_225 = arith.constant 28 : i32
        %parallel_loop3A_226 = vector.broadcast %parallel_loop3A_225 : i32 to vector<16xi32>
        %parallel_loop3A_227 = arith.shrsi %parallel_loop3A_199, %parallel_loop3A_226 : vector<16xi32>
        %parallel_loop3A_228 = arith.sitofp %parallel_loop3A_227 : vector<16xi32> to vector<16xf32>
        %parallel_loop3A_229 = arith.constant 5.000000e-01 : f32
        %parallel_loop3A_230 = vector.broadcast %parallel_loop3A_229 : f32 to vector<16xf32>
        %parallel_loop3A_231 = arith.mulf %parallel_loop3A_228, %parallel_loop3A_230 : vector<16xf32>
        %parallel_loop3A_232 = arith.subf %parallel_loop3A_231, %parallel_loop3A_222 : vector<16xf32>
        %parallel_loop3A_233 = arith.constant 1.000000e+00 : f32
        %parallel_loop3A_234 = vector.broadcast %parallel_loop3A_233 : f32 to vector<16xf32>
        %parallel_loop3A_235 = arith.subf %parallel_loop3A_234, %parallel_loop3A_224 : vector<16xf32>
        %parallel_loop3A_236 = arith.constant 0 : i32
        %parallel_loop3A_237 = arith.constant 0 : i32
        %parallel_loop3A_238 = arith.constant 0 : i32
        %parallel_loop3A_239 = tpu.memref_slice %arg11[%parallel_loop3A_236, %parallel_loop3A_237, %parallel_loop3A_238] : memref<2x128x128xf32, #tpu.memory_space<vmem>> -> memref<1x128x128xf32, #tpu.memory_space<vmem>>
        %parallel_loop3A_240 = tpu.memref_squeeze %parallel_loop3A_239 : memref<1x128x128xf32, #tpu.memory_space<vmem>> -> memref<128x128xf32, #tpu.memory_space<vmem>>
        %parallel_loop3A_241 = tpu.vector_load_idx %parallel_loop3A_240[%parallel_loop3A_202, %parallel_loop3A_214] : memref<128x128xf32, #tpu.memory_space<vmem>>[vector<16xi32>, vector<16xi32>], vector<16xf32>,
        %parallel_loop3A_242 = arith.mulf %parallel_loop3A_241, %parallel_loop3A_232 : vector<16xf32>
        %parallel_loop3A_243 = arith.constant 0 : i32
        %parallel_loop3A_244 = arith.constant 0 : i32
        %parallel_loop3A_245 = arith.constant 0 : i32
        %parallel_loop3A_246 = tpu.memref_slice %arg11[%parallel_loop3A_243, %parallel_loop3A_244, %parallel_loop3A_245] : memref<2x128x128xf32, #tpu.memory_space<vmem>> -> memref<1x128x128xf32, #tpu.memory_space<vmem>>
        %parallel_loop3A_247 = tpu.memref_squeeze %parallel_loop3A_246 : memref<1x128x128xf32, #tpu.memory_space<vmem>> -> memref<128x128xf32, #tpu.memory_space<vmem>>
        %parallel_loop3A_248 = tpu.vector_load_idx %parallel_loop3A_247[%parallel_loop3A_202, %parallel_loop3A_220] : memref<128x128xf32, #tpu.memory_space<vmem>>[vector<16xi32>, vector<16xi32>], vector<16xf32>,
        %parallel_loop3A_249 = arith.mulf %parallel_loop3A_248, %parallel_loop3A_222 : vector<16xf32>
        %parallel_loop3A_250 = arith.addf %parallel_loop3A_242, %parallel_loop3A_249 : vector<16xf32>
        %parallel_loop3A_251 = arith.constant 0 : i32
        %parallel_loop3A_252 = arith.constant 0 : i32
        %parallel_loop3A_253 = arith.constant 0 : i32
        %parallel_loop3A_254 = tpu.memref_slice %arg11[%parallel_loop3A_251, %parallel_loop3A_252, %parallel_loop3A_253] : memref<2x128x128xf32, #tpu.memory_space<vmem>> -> memref<1x128x128xf32, #tpu.memory_space<vmem>>
        %parallel_loop3A_255 = tpu.memref_squeeze %parallel_loop3A_254 : memref<1x128x128xf32, #tpu.memory_space<vmem>> -> memref<128x128xf32, #tpu.memory_space<vmem>>
        %parallel_loop3A_256 = tpu.vector_load_idx %parallel_loop3A_255[%parallel_loop3A_208, %parallel_loop3A_214] : memref<128x128xf32, #tpu.memory_space<vmem>>[vector<16xi32>, vector<16xi32>], vector<16xf32>,
        %parallel_loop3A_257 = arith.mulf %parallel_loop3A_256, %parallel_loop3A_232 : vector<16xf32>
        %parallel_loop3A_258 = arith.constant 0 : i32
        %parallel_loop3A_259 = arith.constant 0 : i32
        %parallel_loop3A_260 = arith.constant 0 : i32
        %parallel_loop3A_261 = tpu.memref_slice %arg11[%parallel_loop3A_258, %parallel_loop3A_259, %parallel_loop3A_260] : memref<2x128x128xf32, #tpu.memory_space<vmem>> -> memref<1x128x128xf32, #tpu.memory_space<vmem>>
        %parallel_loop3A_262 = tpu.memref_squeeze %parallel_loop3A_261 : memref<1x128x128xf32, #tpu.memory_space<vmem>> -> memref<128x128xf32, #tpu.memory_space<vmem>>
        %parallel_loop3A_263 = tpu.vector_load_idx %parallel_loop3A_262[%parallel_loop3A_208, %parallel_loop3A_220] : memref<128x128xf32, #tpu.memory_space<vmem>>[vector<16xi32>, vector<16xi32>], vector<16xf32>,
        %parallel_loop3A_264 = arith.mulf %parallel_loop3A_263, %parallel_loop3A_222 : vector<16xf32>
        %parallel_loop3A_265 = arith.addf %parallel_loop3A_257, %parallel_loop3A_264 : vector<16xf32>
        %parallel_loop3A_266 = arith.mulf %parallel_loop3A_250, %parallel_loop3A_235 : vector<16xf32>
        %parallel_loop3A_267 = arith.mulf %parallel_loop3A_265, %parallel_loop3A_224 : vector<16xf32>
        %parallel_loop3A_268 = arith.addf %parallel_loop3A_266, %parallel_loop3A_267 : vector<16xf32>
        %parallel_loop3A_269 = arith.constant 0 : i32
        %parallel_loop3A_270 = arith.addi %parallel_loop3A_269, %parallel_loop3A_197 : i32
        %parallel_loop3A_271 = arith.index_cast %parallel_loop3A_270 : i32 to index
        %parallel_loop3A_272 = tpu.vector_load %arg13[%parallel_loop3A_271] {strides = array<i32>} : memref<8192xf32, #tpu.memory_space<vmem>>, vector<16xf32>,
        tpu.vector_store %arg13[%parallel_loop3A_271], %parallel_loop3A_268 {strides = array<i32>} : memref<8192xf32, #tpu.memory_space<vmem>>, vector<16xf32>,
        %parallel_loop3A_273 = arith.constant 1 : i32
        %parallel_loop3A_274 = arith.constant 0 : i32
        %parallel_loop3A_275 = arith.constant 0 : i32
        %parallel_loop3A_276 = tpu.memref_slice %arg11[%parallel_loop3A_273, %parallel_loop3A_274, %parallel_loop3A_275] : memref<2x128x128xf32, #tpu.memory_space<vmem>> -> memref<1x128x128xf32, #tpu.memory_space<vmem>>
        %parallel_loop3A_277 = tpu.memref_squeeze %parallel_loop3A_276 : memref<1x128x128xf32, #tpu.memory_space<vmem>> -> memref<128x128xf32, #tpu.memory_space<vmem>>
        %parallel_loop3A_278 = tpu.vector_load_idx %parallel_loop3A_277[%parallel_loop3A_202, %parallel_loop3A_214] : memref<128x128xf32, #tpu.memory_space<vmem>>[vector<16xi32>, vector<16xi32>], vector<16xf32>,
        %parallel_loop3A_279 = arith.mulf %parallel_loop3A_278, %parallel_loop3A_232 : vector<16xf32>
        %parallel_loop3A_280 = arith.constant 1 : i32
        %parallel_loop3A_281 = arith.constant 0 : i32
        %parallel_loop3A_282 = arith.constant 0 : i32
        %parallel_loop3A_283 = tpu.memref_slice %arg11[%parallel_loop3A_280, %parallel_loop3A_281, %parallel_loop3A_282] : memref<2x128x128xf32, #tpu.memory_space<vmem>> -> memref<1x128x128xf32, #tpu.memory_space<vmem>>
        %parallel_loop3A_284 = tpu.memref_squeeze %parallel_loop3A_283 : memref<1x128x128xf32, #tpu.memory_space<vmem>> -> memref<128x128xf32, #tpu.memory_space<vmem>>
        %parallel_loop3A_285 = tpu.vector_load_idx %parallel_loop3A_284[%parallel_loop3A_202, %parallel_loop3A_220] : memref<128x128xf32, #tpu.memory_space<vmem>>[vector<16xi32>, vector<16xi32>], vector<16xf32>,
        %parallel_loop3A_286 = arith.mulf %parallel_loop3A_285, %parallel_loop3A_222 : vector<16xf32>
        %parallel_loop3A_287 = arith.addf %parallel_loop3A_279, %parallel_loop3A_286 : vector<16xf32>
        %parallel_loop3A_288 = arith.constant 1 : i32
        %parallel_loop3A_289 = arith.constant 0 : i32
        %parallel_loop3A_290 = arith.constant 0 : i32
        %parallel_loop3A_291 = tpu.memref_slice %arg11[%parallel_loop3A_288, %parallel_loop3A_289, %parallel_loop3A_290] : memref<2x128x128xf32, #tpu.memory_space<vmem>> -> memref<1x128x128xf32, #tpu.memory_space<vmem>>
        %parallel_loop3A_292 = tpu.memref_squeeze %parallel_loop3A_291 : memref<1x128x128xf32, #tpu.memory_space<vmem>> -> memref<128x128xf32, #tpu.memory_space<vmem>>
        %parallel_loop3A_293 = tpu.vector_load_idx %parallel_loop3A_292[%parallel_loop3A_208, %parallel_loop3A_214] : memref<128x128xf32, #tpu.memory_space<vmem>>[vector<16xi32>, vector<16xi32>], vector<16xf32>,
        %parallel_loop3A_294 = arith.mulf %parallel_loop3A_293, %parallel_loop3A_232 : vector<16xf32>
        %parallel_loop3A_295 = arith.constant 1 : i32
        %parallel_loop3A_296 = arith.constant 0 : i32
        %parallel_loop3A_297 = arith.constant 0 : i32
        %parallel_loop3A_298 = tpu.memref_slice %arg11[%parallel_loop3A_295, %parallel_loop3A_296, %parallel_loop3A_297] : memref<2x128x128xf32, #tpu.memory_space<vmem>> -> memref<1x128x128xf32, #tpu.memory_space<vmem>>
        %parallel_loop3A_299 = tpu.memref_squeeze %parallel_loop3A_298 : memref<1x128x128xf32, #tpu.memory_space<vmem>> -> memref<128x128xf32, #tpu.memory_space<vmem>>
        %parallel_loop3A_300 = tpu.vector_load_idx %parallel_loop3A_299[%parallel_loop3A_208, %parallel_loop3A_220] : memref<128x128xf32, #tpu.memory_space<vmem>>[vector<16xi32>, vector<16xi32>], vector<16xf32>,
        %parallel_loop3A_301 = arith.mulf %parallel_loop3A_300, %parallel_loop3A_222 : vector<16xf32>
        %parallel_loop3A_302 = arith.addf %parallel_loop3A_294, %parallel_loop3A_301 : vector<16xf32>
        %parallel_loop3A_303 = arith.mulf %parallel_loop3A_287, %parallel_loop3A_235 : vector<16xf32>
        %parallel_loop3A_304 = arith.mulf %parallel_loop3A_302, %parallel_loop3A_224 : vector<16xf32>
        %parallel_loop3A_305 = arith.addf %parallel_loop3A_303, %parallel_loop3A_304 : vector<16xf32>
        %parallel_loop3A_306 = arith.constant 4096 : i32
        %parallel_loop3A_307 = arith.addi %parallel_loop3A_306, %parallel_loop3A_197 : i32
        %parallel_loop3A_308 = arith.index_cast %parallel_loop3A_307 : i32 to index
        %parallel_loop3A_309 = tpu.vector_load %arg13[%parallel_loop3A_308] {strides = array<i32>} : memref<8192xf32, #tpu.memory_space<vmem>>, vector<16xf32>,
        tpu.vector_store %arg13[%parallel_loop3A_308], %parallel_loop3A_305 {strides = array<i32>} : memref<8192xf32, #tpu.memory_space<vmem>>, vector<16xf32>,
      } {sc.loop_unroll_factor = 4 : i64, sc.parallel_access}
      %mul3A_115 = arith.constant 2 : i32
      %mul3A_116 = arith.muli %mul3A_88, %mul3A_115 : i32
      %add3A_117 = arith.addi %mul3A_2, %mul3A_116 : i32
      %add3A_118 = arith.constant 0 : i32
      %add3A_119 = arith.addi %add3A_117, %add3A_118 : i32
      %dma_start3A_120 = arith.constant 0 : i32
      %dma_start3A_121 = tpu.memref_slice %arg13[%dma_start3A_120] : memref<8192xf32, #tpu.memory_space<vmem>> -> memref<4096xf32, #tpu.memory_space<vmem>>
      %dma_start3A_122 = arith.constant 0 : i32
      %dma_start3A_123 = tpu.memref_slice %arg5[%add3A_119, %dma_start3A_122] : memref<1024x4096xf32, #tpu.memory_space<hbm>> -> memref<1x4096xf32, #tpu.memory_space<hbm>>
      %dma_start3A_124 = tpu.memref_squeeze %dma_start3A_123 : memref<1x4096xf32, #tpu.memory_space<hbm>> -> memref<4096xf32, #tpu.memory_space<hbm>>
      %dma_start3A_125 = arith.constant 0 : i32
      %dma_start3A_126 = tpu.memref_slice %arg5[%add3A_119, %dma_start3A_125] : memref<1024x4096xf32, #tpu.memory_space<hbm>> -> memref<1x4096xf32, #tpu.memory_space<hbm>>
      %dma_start3A_127 = tpu.memref_squeeze %dma_start3A_126 : memref<1x4096xf32, #tpu.memory_space<hbm>> -> memref<4096xf32, #tpu.memory_space<hbm>>
      %dma_start3A_128 = arith.constant 0 : i32
      %dma_start3A_129 = tpu.memref_slice %arg13[%dma_start3A_128] : memref<8192xf32, #tpu.memory_space<vmem>> -> memref<4096xf32, #tpu.memory_space<vmem>>
      tpu.enqueue_dma source(%dma_start3A_129 : memref<4096xf32, #tpu.memory_space<vmem>>) target(%dma_start3A_127 : memref<4096xf32, #tpu.memory_space<hbm>>) target_semaphore(%arg17 : memref<!tpu.dma_semaphore, #tpu.memory_space<semaphore_mem>>)
      %mul3A_130 = arith.constant 2 : i32
      %mul3A_131 = arith.muli %mul3A_88, %mul3A_130 : i32
      %add3A_132 = arith.addi %mul3A_2, %mul3A_131 : i32
      %add3A_133 = arith.constant 1 : i32
      %add3A_134 = arith.addi %add3A_132, %add3A_133 : i32
      %dma_start3A_135 = arith.constant 4096 : i32
      %dma_start3A_136 = tpu.memref_slice %arg13[%dma_start3A_135] : memref<8192xf32, #tpu.memory_space<vmem>> -> memref<4096xf32, #tpu.memory_space<vmem>>
      %dma_start3A_137 = arith.constant 0 : i32
      %dma_start3A_138 = tpu.memref_slice %arg5[%add3A_134, %dma_start3A_137] : memref<1024x4096xf32, #tpu.memory_space<hbm>> -> memref<1x4096xf32, #tpu.memory_space<hbm>>
      %dma_start3A_139 = tpu.memref_squeeze %dma_start3A_138 : memref<1x4096xf32, #tpu.memory_space<hbm>> -> memref<4096xf32, #tpu.memory_space<hbm>>
      %dma_start3A_140 = arith.constant 0 : i32
      %dma_start3A_141 = tpu.memref_slice %arg5[%add3A_134, %dma_start3A_140] : memref<1024x4096xf32, #tpu.memory_space<hbm>> -> memref<1x4096xf32, #tpu.memory_space<hbm>>
      %dma_start3A_142 = tpu.memref_squeeze %dma_start3A_141 : memref<1x4096xf32, #tpu.memory_space<hbm>> -> memref<4096xf32, #tpu.memory_space<hbm>>
      %dma_start3A_143 = arith.constant 4096 : i32
      %dma_start3A_144 = tpu.memref_slice %arg13[%dma_start3A_143] : memref<8192xf32, #tpu.memory_space<vmem>> -> memref<4096xf32, #tpu.memory_space<vmem>>
      tpu.enqueue_dma source(%dma_start3A_144 : memref<4096xf32, #tpu.memory_space<vmem>>) target(%dma_start3A_142 : memref<4096xf32, #tpu.memory_space<hbm>>) target_semaphore(%arg17 : memref<!tpu.dma_semaphore, #tpu.memory_space<semaphore_mem>>)
      %dma_wait3A_145 = arith.constant 0 : i32
      %dma_wait3A_146 = arith.constant 0 : i32
      %dma_wait3A_147 = tpu.memref_slice %arg2[%select_n3A, %sub3A_21, %dma_wait3A_145, %dma_wait3A_146] : memref<4x256x128x128xf32, #tpu.memory_space<hbm>> -> memref<1x2x128x128xf32, #tpu.memory_space<hbm>>
      %dma_wait3A_148 = tpu.memref_squeeze %dma_wait3A_147 : memref<1x2x128x128xf32, #tpu.memory_space<hbm>> -> memref<2x128x128xf32, #tpu.memory_space<hbm>>
      %dma_wait3A_149 = arith.constant 0 : i32
      %dma_wait3A_150 = arith.constant 0 : i32
      %dma_wait3A_151 = tpu.memref_slice %arg2[%select_n3A, %sub3A_21, %dma_wait3A_149, %dma_wait3A_150] : memref<4x256x128x128xf32, #tpu.memory_space<hbm>> -> memref<1x2x128x128xf32, #tpu.memory_space<hbm>>
      %dma_wait3A_152 = tpu.memref_squeeze %dma_wait3A_151 : memref<1x2x128x128xf32, #tpu.memory_space<hbm>> -> memref<2x128x128xf32, #tpu.memory_space<hbm>>
      tpu.wait_dma2 semaphore(%arg16 : memref<!tpu.dma_semaphore, #tpu.memory_space<semaphore_mem>>) src(%dma_wait3A_152 : memref<2x128x128xf32, #tpu.memory_space<hbm>>) dst(%arg12 : memref<2x128x128xf32, #tpu.memory_space<vmem>>)
      %lt3A = arith.constant 7 : i32
      %lt3A_153 = arith.cmpi slt, %scan3A_86, %lt3A : i32
      %convert_element_type3A_154 = arith.extui %lt3A_153 : i1 to i32
      %cond3A_155 = arith.constant 0 : i32
      %cond3A_156 = arith.cmpi ne, %convert_element_type3A_154, %cond3A_155 : i32
      scf.if %cond3A_156 {
        %add3A_197 = arith.constant 2 : i32
        %add3A_198 = arith.addi %mul3A_88, %add3A_197 : i32
        %mul3A_199 = arith.constant 2 : i32
        %mul3A_200 = arith.muli %add3A_198, %mul3A_199 : i32
        %add3A_201 = arith.addi %sub3A_21, %mul3A_200 : i32
        %dma_start3A_202 = arith.constant 0 : i32
        %dma_start3A_203 = arith.constant 0 : i32
        %dma_start3A_204 = tpu.memref_slice %arg2[%select_n3A, %add3A_201, %dma_start3A_202, %dma_start3A_203] : memref<4x256x128x128xf32, #tpu.memory_space<hbm>> -> memref<1x2x128x128xf32, #tpu.memory_space<hbm>>
        %dma_start3A_205 = tpu.memref_squeeze %dma_start3A_204 : memref<1x2x128x128xf32, #tpu.memory_space<hbm>> -> memref<2x128x128xf32, #tpu.memory_space<hbm>>
        %dma_start3A_206 = arith.constant 0 : i32
        %dma_start3A_207 = arith.constant 0 : i32
        %dma_start3A_208 = tpu.memref_slice %arg2[%select_n3A, %add3A_201, %dma_start3A_206, %dma_start3A_207] : memref<4x256x128x128xf32, #tpu.memory_space<hbm>> -> memref<1x2x128x128xf32, #tpu.memory_space<hbm>>
        %dma_start3A_209 = tpu.memref_squeeze %dma_start3A_208 : memref<1x2x128x128xf32, #tpu.memory_space<hbm>> -> memref<2x128x128xf32, #tpu.memory_space<hbm>>
        tpu.enqueue_dma source(%dma_start3A_209 : memref<2x128x128xf32, #tpu.memory_space<hbm>>) target(%arg11 : memref<2x128x128xf32, #tpu.memory_space<vmem>>) target_semaphore(%arg15 : memref<!tpu.dma_semaphore, #tpu.memory_space<semaphore_mem>>)
      } else {
      }
      %gt3A_157 = arith.constant 0 : i32
      %gt3A_158 = arith.cmpi sgt, %scan3A_86, %gt3A_157 : i32
      %convert_element_type3A_159 = arith.extui %gt3A_158 : i1 to i32
      %cond3A_160 = arith.constant 0 : i32
      %cond3A_161 = arith.cmpi ne, %convert_element_type3A_159, %cond3A_160 : i32
      scf.if %cond3A_161 {
        %add3A_197 = arith.constant 0 : i32
        %add3A_198 = arith.addi %mul3A_2, %add3A_197 : i32
        %dma_wait3A_199 = arith.constant 0 : i32
        %dma_wait3A_200 = tpu.memref_slice %arg14[%dma_wait3A_199] : memref<8192xf32, #tpu.memory_space<vmem>> -> memref<4096xf32, #tpu.memory_space<vmem>>
        %dma_wait3A_201 = arith.constant 0 : i32
        %dma_wait3A_202 = tpu.memref_slice %arg5[%add3A_198, %dma_wait3A_201] : memref<1024x4096xf32, #tpu.memory_space<hbm>> -> memref<1x4096xf32, #tpu.memory_space<hbm>>
        %dma_wait3A_203 = tpu.memref_squeeze %dma_wait3A_202 : memref<1x4096xf32, #tpu.memory_space<hbm>> -> memref<4096xf32, #tpu.memory_space<hbm>>
        %dma_wait3A_204 = arith.constant 0 : i32
        %dma_wait3A_205 = tpu.memref_slice %arg5[%add3A_198, %dma_wait3A_204] : memref<1024x4096xf32, #tpu.memory_space<hbm>> -> memref<1x4096xf32, #tpu.memory_space<hbm>>
        %dma_wait3A_206 = tpu.memref_squeeze %dma_wait3A_205 : memref<1x4096xf32, #tpu.memory_space<hbm>> -> memref<4096xf32, #tpu.memory_space<hbm>>
        %dma_wait3A_207 = arith.constant 0 : i32
        %dma_wait3A_208 = tpu.memref_slice %arg14[%dma_wait3A_207] : memref<8192xf32, #tpu.memory_space<vmem>> -> memref<4096xf32, #tpu.memory_space<vmem>>
        tpu.wait_dma2 semaphore(%arg18 : memref<!tpu.dma_semaphore, #tpu.memory_space<semaphore_mem>>) src(%dma_wait3A_208 : memref<4096xf32, #tpu.memory_space<vmem>>) dst(%dma_wait3A_206 : memref<4096xf32, #tpu.memory_space<hbm>>)
        %add3A_209 = arith.constant 1 : i32
        %add3A_210 = arith.addi %mul3A_2, %add3A_209 : i32
        %dma_wait3A_211 = arith.constant 4096 : i32
        %dma_wait3A_212 = tpu.memref_slice %arg14[%dma_wait3A_211] : memref<8192xf32, #tpu.memory_space<vmem>> -> memref<4096xf32, #tpu.memory_space<vmem>>
        %dma_wait3A_213 = arith.constant 0 : i32
        %dma_wait3A_214 = tpu.memref_slice %arg5[%add3A_210, %dma_wait3A_213] : memref<1024x4096xf32, #tpu.memory_space<hbm>> -> memref<1x4096xf32, #tpu.memory_space<hbm>>
        %dma_wait3A_215 = tpu.memref_squeeze %dma_wait3A_214 : memref<1x4096xf32, #tpu.memory_space<hbm>> -> memref<4096xf32, #tpu.memory_space<hbm>>
        %dma_wait3A_216 = arith.constant 0 : i32
        %dma_wait3A_217 = tpu.memref_slice %arg5[%add3A_210, %dma_wait3A_216] : memref<1024x4096xf32, #tpu.memory_space<hbm>> -> memref<1x4096xf32, #tpu.memory_space<hbm>>
        %dma_wait3A_218 = tpu.memref_squeeze %dma_wait3A_217 : memref<1x4096xf32, #tpu.memory_space<hbm>> -> memref<4096xf32, #tpu.memory_space<hbm>>
        %dma_wait3A_219 = arith.constant 4096 : i32
        %dma_wait3A_220 = tpu.memref_slice %arg14[%dma_wait3A_219] : memref<8192xf32, #tpu.memory_space<vmem>> -> memref<4096xf32, #tpu.memory_space<vmem>>
        tpu.wait_dma2 semaphore(%arg18 : memref<!tpu.dma_semaphore, #tpu.memory_space<semaphore_mem>>) src(%dma_wait3A_220 : memref<4096xf32, #tpu.memory_space<vmem>>) dst(%dma_wait3A_218 : memref<4096xf32, #tpu.memory_space<hbm>>)
      } else {
      }
      %parallel_loop3A_162 = arith.constant 0 : i32
      %parallel_loop3A_163 = arith.constant 4096 : i32
      %parallel_loop3A_164 = arith.constant 16 : i32
      scf.for %parallel_loop3A_197 = %parallel_loop3A_162 to %parallel_loop3A_163 step %parallel_loop3A_164  : i32 {
        %parallel_loop3A_198 = arith.index_cast %parallel_loop3A_197 : i32 to index
        %parallel_loop3A_199 = tpu.vector_load %arg8[%parallel_loop3A_198] {strides = array<i32>} : memref<4096xi32, #tpu.memory_space<vmem>>, vector<16xi32>,
        %parallel_loop3A_200 = arith.constant 127 : i32
        %parallel_loop3A_201 = vector.broadcast %parallel_loop3A_200 : i32 to vector<16xi32>
        %parallel_loop3A_202 = arith.andi %parallel_loop3A_199, %parallel_loop3A_201 : vector<16xi32>
        %parallel_loop3A_203 = arith.constant 7 : i32
        %parallel_loop3A_204 = vector.broadcast %parallel_loop3A_203 : i32 to vector<16xi32>
        %parallel_loop3A_205 = arith.shrsi %parallel_loop3A_199, %parallel_loop3A_204 : vector<16xi32>
        %parallel_loop3A_206 = arith.constant 127 : i32
        %parallel_loop3A_207 = vector.broadcast %parallel_loop3A_206 : i32 to vector<16xi32>
        %parallel_loop3A_208 = arith.andi %parallel_loop3A_205, %parallel_loop3A_207 : vector<16xi32>
        %parallel_loop3A_209 = arith.constant 14 : i32
        %parallel_loop3A_210 = vector.broadcast %parallel_loop3A_209 : i32 to vector<16xi32>
        %parallel_loop3A_211 = arith.shrsi %parallel_loop3A_199, %parallel_loop3A_210 : vector<16xi32>
        %parallel_loop3A_212 = arith.constant 127 : i32
        %parallel_loop3A_213 = vector.broadcast %parallel_loop3A_212 : i32 to vector<16xi32>
        %parallel_loop3A_214 = arith.andi %parallel_loop3A_211, %parallel_loop3A_213 : vector<16xi32>
        %parallel_loop3A_215 = arith.constant 21 : i32
        %parallel_loop3A_216 = vector.broadcast %parallel_loop3A_215 : i32 to vector<16xi32>
        %parallel_loop3A_217 = arith.shrsi %parallel_loop3A_199, %parallel_loop3A_216 : vector<16xi32>
        %parallel_loop3A_218 = arith.constant 127 : i32
        %parallel_loop3A_219 = vector.broadcast %parallel_loop3A_218 : i32 to vector<16xi32>
        %parallel_loop3A_220 = arith.andi %parallel_loop3A_217, %parallel_loop3A_219 : vector<16xi32>
        %parallel_loop3A_221 = arith.index_cast %parallel_loop3A_197 : i32 to index
        %parallel_loop3A_222 = tpu.vector_load %arg9[%parallel_loop3A_221] {strides = array<i32>} : memref<4096xf32, #tpu.memory_space<vmem>>, vector<16xf32>,
        %parallel_loop3A_223 = arith.index_cast %parallel_loop3A_197 : i32 to index
        %parallel_loop3A_224 = tpu.vector_load %arg10[%parallel_loop3A_223] {strides = array<i32>} : memref<4096xf32, #tpu.memory_space<vmem>>, vector<16xf32>,
        %parallel_loop3A_225 = arith.constant 28 : i32
        %parallel_loop3A_226 = vector.broadcast %parallel_loop3A_225 : i32 to vector<16xi32>
        %parallel_loop3A_227 = arith.shrsi %parallel_loop3A_199, %parallel_loop3A_226 : vector<16xi32>
        %parallel_loop3A_228 = arith.sitofp %parallel_loop3A_227 : vector<16xi32> to vector<16xf32>
        %parallel_loop3A_229 = arith.constant 5.000000e-01 : f32
        %parallel_loop3A_230 = vector.broadcast %parallel_loop3A_229 : f32 to vector<16xf32>
        %parallel_loop3A_231 = arith.mulf %parallel_loop3A_228, %parallel_loop3A_230 : vector<16xf32>
        %parallel_loop3A_232 = arith.subf %parallel_loop3A_231, %parallel_loop3A_222 : vector<16xf32>
        %parallel_loop3A_233 = arith.constant 1.000000e+00 : f32
        %parallel_loop3A_234 = vector.broadcast %parallel_loop3A_233 : f32 to vector<16xf32>
        %parallel_loop3A_235 = arith.subf %parallel_loop3A_234, %parallel_loop3A_224 : vector<16xf32>
        %parallel_loop3A_236 = arith.constant 0 : i32
        %parallel_loop3A_237 = arith.constant 0 : i32
        %parallel_loop3A_238 = arith.constant 0 : i32
        %parallel_loop3A_239 = tpu.memref_slice %arg12[%parallel_loop3A_236, %parallel_loop3A_237, %parallel_loop3A_238] : memref<2x128x128xf32, #tpu.memory_space<vmem>> -> memref<1x128x128xf32, #tpu.memory_space<vmem>>
        %parallel_loop3A_240 = tpu.memref_squeeze %parallel_loop3A_239 : memref<1x128x128xf32, #tpu.memory_space<vmem>> -> memref<128x128xf32, #tpu.memory_space<vmem>>
        %parallel_loop3A_241 = tpu.vector_load_idx %parallel_loop3A_240[%parallel_loop3A_202, %parallel_loop3A_214] : memref<128x128xf32, #tpu.memory_space<vmem>>[vector<16xi32>, vector<16xi32>], vector<16xf32>,
        %parallel_loop3A_242 = arith.mulf %parallel_loop3A_241, %parallel_loop3A_232 : vector<16xf32>
        %parallel_loop3A_243 = arith.constant 0 : i32
        %parallel_loop3A_244 = arith.constant 0 : i32
        %parallel_loop3A_245 = arith.constant 0 : i32
        %parallel_loop3A_246 = tpu.memref_slice %arg12[%parallel_loop3A_243, %parallel_loop3A_244, %parallel_loop3A_245] : memref<2x128x128xf32, #tpu.memory_space<vmem>> -> memref<1x128x128xf32, #tpu.memory_space<vmem>>
        %parallel_loop3A_247 = tpu.memref_squeeze %parallel_loop3A_246 : memref<1x128x128xf32, #tpu.memory_space<vmem>> -> memref<128x128xf32, #tpu.memory_space<vmem>>
        %parallel_loop3A_248 = tpu.vector_load_idx %parallel_loop3A_247[%parallel_loop3A_202, %parallel_loop3A_220] : memref<128x128xf32, #tpu.memory_space<vmem>>[vector<16xi32>, vector<16xi32>], vector<16xf32>,
        %parallel_loop3A_249 = arith.mulf %parallel_loop3A_248, %parallel_loop3A_222 : vector<16xf32>
        %parallel_loop3A_250 = arith.addf %parallel_loop3A_242, %parallel_loop3A_249 : vector<16xf32>
        %parallel_loop3A_251 = arith.constant 0 : i32
        %parallel_loop3A_252 = arith.constant 0 : i32
        %parallel_loop3A_253 = arith.constant 0 : i32
        %parallel_loop3A_254 = tpu.memref_slice %arg12[%parallel_loop3A_251, %parallel_loop3A_252, %parallel_loop3A_253] : memref<2x128x128xf32, #tpu.memory_space<vmem>> -> memref<1x128x128xf32, #tpu.memory_space<vmem>>
        %parallel_loop3A_255 = tpu.memref_squeeze %parallel_loop3A_254 : memref<1x128x128xf32, #tpu.memory_space<vmem>> -> memref<128x128xf32, #tpu.memory_space<vmem>>
        %parallel_loop3A_256 = tpu.vector_load_idx %parallel_loop3A_255[%parallel_loop3A_208, %parallel_loop3A_214] : memref<128x128xf32, #tpu.memory_space<vmem>>[vector<16xi32>, vector<16xi32>], vector<16xf32>,
        %parallel_loop3A_257 = arith.mulf %parallel_loop3A_256, %parallel_loop3A_232 : vector<16xf32>
        %parallel_loop3A_258 = arith.constant 0 : i32
        %parallel_loop3A_259 = arith.constant 0 : i32
        %parallel_loop3A_260 = arith.constant 0 : i32
        %parallel_loop3A_261 = tpu.memref_slice %arg12[%parallel_loop3A_258, %parallel_loop3A_259, %parallel_loop3A_260] : memref<2x128x128xf32, #tpu.memory_space<vmem>> -> memref<1x128x128xf32, #tpu.memory_space<vmem>>
        %parallel_loop3A_262 = tpu.memref_squeeze %parallel_loop3A_261 : memref<1x128x128xf32, #tpu.memory_space<vmem>> -> memref<128x128xf32, #tpu.memory_space<vmem>>
        %parallel_loop3A_263 = tpu.vector_load_idx %parallel_loop3A_262[%parallel_loop3A_208, %parallel_loop3A_220] : memref<128x128xf32, #tpu.memory_space<vmem>>[vector<16xi32>, vector<16xi32>], vector<16xf32>,
        %parallel_loop3A_264 = arith.mulf %parallel_loop3A_263, %parallel_loop3A_222 : vector<16xf32>
        %parallel_loop3A_265 = arith.addf %parallel_loop3A_257, %parallel_loop3A_264 : vector<16xf32>
        %parallel_loop3A_266 = arith.mulf %parallel_loop3A_250, %parallel_loop3A_235 : vector<16xf32>
        %parallel_loop3A_267 = arith.mulf %parallel_loop3A_265, %parallel_loop3A_224 : vector<16xf32>
        %parallel_loop3A_268 = arith.addf %parallel_loop3A_266, %parallel_loop3A_267 : vector<16xf32>
        %parallel_loop3A_269 = arith.constant 0 : i32
        %parallel_loop3A_270 = arith.addi %parallel_loop3A_269, %parallel_loop3A_197 : i32
        %parallel_loop3A_271 = arith.index_cast %parallel_loop3A_270 : i32 to index
        %parallel_loop3A_272 = tpu.vector_load %arg14[%parallel_loop3A_271] {strides = array<i32>} : memref<8192xf32, #tpu.memory_space<vmem>>, vector<16xf32>,
        tpu.vector_store %arg14[%parallel_loop3A_271], %parallel_loop3A_268 {strides = array<i32>} : memref<8192xf32, #tpu.memory_space<vmem>>, vector<16xf32>,
        %parallel_loop3A_273 = arith.constant 1 : i32
        %parallel_loop3A_274 = arith.constant 0 : i32
        %parallel_loop3A_275 = arith.constant 0 : i32
        %parallel_loop3A_276 = tpu.memref_slice %arg12[%parallel_loop3A_273, %parallel_loop3A_274, %parallel_loop3A_275] : memref<2x128x128xf32, #tpu.memory_space<vmem>> -> memref<1x128x128xf32, #tpu.memory_space<vmem>>
        %parallel_loop3A_277 = tpu.memref_squeeze %parallel_loop3A_276 : memref<1x128x128xf32, #tpu.memory_space<vmem>> -> memref<128x128xf32, #tpu.memory_space<vmem>>
        %parallel_loop3A_278 = tpu.vector_load_idx %parallel_loop3A_277[%parallel_loop3A_202, %parallel_loop3A_214] : memref<128x128xf32, #tpu.memory_space<vmem>>[vector<16xi32>, vector<16xi32>], vector<16xf32>,
        %parallel_loop3A_279 = arith.mulf %parallel_loop3A_278, %parallel_loop3A_232 : vector<16xf32>
        %parallel_loop3A_280 = arith.constant 1 : i32
        %parallel_loop3A_281 = arith.constant 0 : i32
        %parallel_loop3A_282 = arith.constant 0 : i32
        %parallel_loop3A_283 = tpu.memref_slice %arg12[%parallel_loop3A_280, %parallel_loop3A_281, %parallel_loop3A_282] : memref<2x128x128xf32, #tpu.memory_space<vmem>> -> memref<1x128x128xf32, #tpu.memory_space<vmem>>
        %parallel_loop3A_284 = tpu.memref_squeeze %parallel_loop3A_283 : memref<1x128x128xf32, #tpu.memory_space<vmem>> -> memref<128x128xf32, #tpu.memory_space<vmem>>
        %parallel_loop3A_285 = tpu.vector_load_idx %parallel_loop3A_284[%parallel_loop3A_202, %parallel_loop3A_220] : memref<128x128xf32, #tpu.memory_space<vmem>>[vector<16xi32>, vector<16xi32>], vector<16xf32>,
        %parallel_loop3A_286 = arith.mulf %parallel_loop3A_285, %parallel_loop3A_222 : vector<16xf32>
        %parallel_loop3A_287 = arith.addf %parallel_loop3A_279, %parallel_loop3A_286 : vector<16xf32>
        %parallel_loop3A_288 = arith.constant 1 : i32
        %parallel_loop3A_289 = arith.constant 0 : i32
        %parallel_loop3A_290 = arith.constant 0 : i32
        %parallel_loop3A_291 = tpu.memref_slice %arg12[%parallel_loop3A_288, %parallel_loop3A_289, %parallel_loop3A_290] : memref<2x128x128xf32, #tpu.memory_space<vmem>> -> memref<1x128x128xf32, #tpu.memory_space<vmem>>
        %parallel_loop3A_292 = tpu.memref_squeeze %parallel_loop3A_291 : memref<1x128x128xf32, #tpu.memory_space<vmem>> -> memref<128x128xf32, #tpu.memory_space<vmem>>
        %parallel_loop3A_293 = tpu.vector_load_idx %parallel_loop3A_292[%parallel_loop3A_208, %parallel_loop3A_214] : memref<128x128xf32, #tpu.memory_space<vmem>>[vector<16xi32>, vector<16xi32>], vector<16xf32>,
        %parallel_loop3A_294 = arith.mulf %parallel_loop3A_293, %parallel_loop3A_232 : vector<16xf32>
        %parallel_loop3A_295 = arith.constant 1 : i32
        %parallel_loop3A_296 = arith.constant 0 : i32
        %parallel_loop3A_297 = arith.constant 0 : i32
        %parallel_loop3A_298 = tpu.memref_slice %arg12[%parallel_loop3A_295, %parallel_loop3A_296, %parallel_loop3A_297] : memref<2x128x128xf32, #tpu.memory_space<vmem>> -> memref<1x128x128xf32, #tpu.memory_space<vmem>>
        %parallel_loop3A_299 = tpu.memref_squeeze %parallel_loop3A_298 : memref<1x128x128xf32, #tpu.memory_space<vmem>> -> memref<128x128xf32, #tpu.memory_space<vmem>>
        %parallel_loop3A_300 = tpu.vector_load_idx %parallel_loop3A_299[%parallel_loop3A_208, %parallel_loop3A_220] : memref<128x128xf32, #tpu.memory_space<vmem>>[vector<16xi32>, vector<16xi32>], vector<16xf32>,
        %parallel_loop3A_301 = arith.mulf %parallel_loop3A_300, %parallel_loop3A_222 : vector<16xf32>
        %parallel_loop3A_302 = arith.addf %parallel_loop3A_294, %parallel_loop3A_301 : vector<16xf32>
        %parallel_loop3A_303 = arith.mulf %parallel_loop3A_287, %parallel_loop3A_235 : vector<16xf32>
        %parallel_loop3A_304 = arith.mulf %parallel_loop3A_302, %parallel_loop3A_224 : vector<16xf32>
        %parallel_loop3A_305 = arith.addf %parallel_loop3A_303, %parallel_loop3A_304 : vector<16xf32>
        %parallel_loop3A_306 = arith.constant 4096 : i32
        %parallel_loop3A_307 = arith.addi %parallel_loop3A_306, %parallel_loop3A_197 : i32
        %parallel_loop3A_308 = arith.index_cast %parallel_loop3A_307 : i32 to index
        %parallel_loop3A_309 = tpu.vector_load %arg14[%parallel_loop3A_308] {strides = array<i32>} : memref<8192xf32, #tpu.memory_space<vmem>>, vector<16xf32>,
        tpu.vector_store %arg14[%parallel_loop3A_308], %parallel_loop3A_305 {strides = array<i32>} : memref<8192xf32, #tpu.memory_space<vmem>>, vector<16xf32>,
      } {sc.loop_unroll_factor = 4 : i64, sc.parallel_access}
      %add3A_165 = arith.constant 1 : i32
      %add3A_166 = arith.addi %mul3A_88, %add3A_165 : i32
      %mul3A_167 = arith.constant 2 : i32
      %mul3A_168 = arith.muli %add3A_166, %mul3A_167 : i32
      %add3A_169 = arith.addi %mul3A_2, %mul3A_168 : i32
      %add3A_170 = arith.constant 0 : i32
      %add3A_171 = arith.addi %add3A_169, %add3A_170 : i32
      %dma_start3A_172 = arith.constant 0 : i32
      %dma_start3A_173 = tpu.memref_slice %arg14[%dma_start3A_172] : memref<8192xf32, #tpu.memory_space<vmem>> -> memref<4096xf32, #tpu.memory_space<vmem>>
      %dma_start3A_174 = arith.constant 0 : i32
      %dma_start3A_175 = tpu.memref_slice %arg5[%add3A_171, %dma_start3A_174] : memref<1024x4096xf32, #tpu.memory_space<hbm>> -> memref<1x4096xf32, #tpu.memory_space<hbm>>
      %dma_start3A_176 = tpu.memref_squeeze %dma_start3A_175 : memref<1x4096xf32, #tpu.memory_space<hbm>> -> memref<4096xf32, #tpu.memory_space<hbm>>
      %dma_start3A_177 = arith.constant 0 : i32
      %dma_start3A_178 = tpu.memref_slice %arg5[%add3A_171, %dma_start3A_177] : memref<1024x4096xf32, #tpu.memory_space<hbm>> -> memref<1x4096xf32, #tpu.memory_space<hbm>>
      %dma_start3A_179 = tpu.memref_squeeze %dma_start3A_178 : memref<1x4096xf32, #tpu.memory_space<hbm>> -> memref<4096xf32, #tpu.memory_space<hbm>>
      %dma_start3A_180 = arith.constant 0 : i32
      %dma_start3A_181 = tpu.memref_slice %arg14[%dma_start3A_180] : memref<8192xf32, #tpu.memory_space<vmem>> -> memref<4096xf32, #tpu.memory_space<vmem>>
      tpu.enqueue_dma source(%dma_start3A_181 : memref<4096xf32, #tpu.memory_space<vmem>>) target(%dma_start3A_179 : memref<4096xf32, #tpu.memory_space<hbm>>) target_semaphore(%arg18 : memref<!tpu.dma_semaphore, #tpu.memory_space<semaphore_mem>>)
      %mul3A_182 = arith.constant 2 : i32
      %mul3A_183 = arith.muli %add3A_166, %mul3A_182 : i32
      %add3A_184 = arith.addi %mul3A_2, %mul3A_183 : i32
      %add3A_185 = arith.constant 1 : i32
      %add3A_186 = arith.addi %add3A_184, %add3A_185 : i32
      %dma_start3A_187 = arith.constant 4096 : i32
      %dma_start3A_188 = tpu.memref_slice %arg14[%dma_start3A_187] : memref<8192xf32, #tpu.memory_space<vmem>> -> memref<4096xf32, #tpu.memory_space<vmem>>
      %dma_start3A_189 = arith.constant 0 : i32
      %dma_start3A_190 = tpu.memref_slice %arg5[%add3A_186, %dma_start3A_189] : memref<1024x4096xf32, #tpu.memory_space<hbm>> -> memref<1x4096xf32, #tpu.memory_space<hbm>>
      %dma_start3A_191 = tpu.memref_squeeze %dma_start3A_190 : memref<1x4096xf32, #tpu.memory_space<hbm>> -> memref<4096xf32, #tpu.memory_space<hbm>>
      %dma_start3A_192 = arith.constant 0 : i32
      %dma_start3A_193 = tpu.memref_slice %arg5[%add3A_186, %dma_start3A_192] : memref<1024x4096xf32, #tpu.memory_space<hbm>> -> memref<1x4096xf32, #tpu.memory_space<hbm>>
      %dma_start3A_194 = tpu.memref_squeeze %dma_start3A_193 : memref<1x4096xf32, #tpu.memory_space<hbm>> -> memref<4096xf32, #tpu.memory_space<hbm>>
      %dma_start3A_195 = arith.constant 4096 : i32
      %dma_start3A_196 = tpu.memref_slice %arg14[%dma_start3A_195] : memref<8192xf32, #tpu.memory_space<vmem>> -> memref<4096xf32, #tpu.memory_space<vmem>>
      tpu.enqueue_dma source(%dma_start3A_196 : memref<4096xf32, #tpu.memory_space<vmem>>) target(%dma_start3A_194 : memref<4096xf32, #tpu.memory_space<hbm>>) target_semaphore(%arg18 : memref<!tpu.dma_semaphore, #tpu.memory_space<semaphore_mem>>)
    }
    %scan3A_38 = arith.constant 8 : i32
    %add3A_39 = arith.constant 0 : i32
    %add3A_40 = arith.addi %mul3A_2, %add3A_39 : i32
    %dma_wait3A = arith.constant 0 : i32
    %dma_wait3A_41 = tpu.memref_slice %arg13[%dma_wait3A] : memref<8192xf32, #tpu.memory_space<vmem>> -> memref<4096xf32, #tpu.memory_space<vmem>>
    %dma_wait3A_42 = arith.constant 0 : i32
    %dma_wait3A_43 = tpu.memref_slice %arg5[%add3A_40, %dma_wait3A_42] : memref<1024x4096xf32, #tpu.memory_space<hbm>> -> memref<1x4096xf32, #tpu.memory_space<hbm>>
    %dma_wait3A_44 = tpu.memref_squeeze %dma_wait3A_43 : memref<1x4096xf32, #tpu.memory_space<hbm>> -> memref<4096xf32, #tpu.memory_space<hbm>>
    %dma_wait3A_45 = arith.constant 0 : i32
    %dma_wait3A_46 = tpu.memref_slice %arg5[%add3A_40, %dma_wait3A_45] : memref<1024x4096xf32, #tpu.memory_space<hbm>> -> memref<1x4096xf32, #tpu.memory_space<hbm>>
    %dma_wait3A_47 = tpu.memref_squeeze %dma_wait3A_46 : memref<1x4096xf32, #tpu.memory_space<hbm>> -> memref<4096xf32, #tpu.memory_space<hbm>>
    %dma_wait3A_48 = arith.constant 0 : i32
    %dma_wait3A_49 = tpu.memref_slice %arg13[%dma_wait3A_48] : memref<8192xf32, #tpu.memory_space<vmem>> -> memref<4096xf32, #tpu.memory_space<vmem>>
    tpu.wait_dma2 semaphore(%arg17 : memref<!tpu.dma_semaphore, #tpu.memory_space<semaphore_mem>>) src(%dma_wait3A_49 : memref<4096xf32, #tpu.memory_space<vmem>>) dst(%dma_wait3A_47 : memref<4096xf32, #tpu.memory_space<hbm>>)
    %add3A_50 = arith.constant 1 : i32
    %add3A_51 = arith.addi %mul3A_2, %add3A_50 : i32
    %dma_wait3A_52 = arith.constant 4096 : i32
    %dma_wait3A_53 = tpu.memref_slice %arg13[%dma_wait3A_52] : memref<8192xf32, #tpu.memory_space<vmem>> -> memref<4096xf32, #tpu.memory_space<vmem>>
    %dma_wait3A_54 = arith.constant 0 : i32
    %dma_wait3A_55 = tpu.memref_slice %arg5[%add3A_51, %dma_wait3A_54] : memref<1024x4096xf32, #tpu.memory_space<hbm>> -> memref<1x4096xf32, #tpu.memory_space<hbm>>
    %dma_wait3A_56 = tpu.memref_squeeze %dma_wait3A_55 : memref<1x4096xf32, #tpu.memory_space<hbm>> -> memref<4096xf32, #tpu.memory_space<hbm>>
    %dma_wait3A_57 = arith.constant 0 : i32
    %dma_wait3A_58 = tpu.memref_slice %arg5[%add3A_51, %dma_wait3A_57] : memref<1024x4096xf32, #tpu.memory_space<hbm>> -> memref<1x4096xf32, #tpu.memory_space<hbm>>
    %dma_wait3A_59 = tpu.memref_squeeze %dma_wait3A_58 : memref<1x4096xf32, #tpu.memory_space<hbm>> -> memref<4096xf32, #tpu.memory_space<hbm>>
    %dma_wait3A_60 = arith.constant 4096 : i32
    %dma_wait3A_61 = tpu.memref_slice %arg13[%dma_wait3A_60] : memref<8192xf32, #tpu.memory_space<vmem>> -> memref<4096xf32, #tpu.memory_space<vmem>>
    tpu.wait_dma2 semaphore(%arg17 : memref<!tpu.dma_semaphore, #tpu.memory_space<semaphore_mem>>) src(%dma_wait3A_61 : memref<4096xf32, #tpu.memory_space<vmem>>) dst(%dma_wait3A_59 : memref<4096xf32, #tpu.memory_space<hbm>>)
    %add3A_62 = arith.constant 0 : i32
    %add3A_63 = arith.addi %mul3A_2, %add3A_62 : i32
    %dma_wait3A_64 = arith.constant 0 : i32
    %dma_wait3A_65 = tpu.memref_slice %arg14[%dma_wait3A_64] : memref<8192xf32, #tpu.memory_space<vmem>> -> memref<4096xf32, #tpu.memory_space<vmem>>
    %dma_wait3A_66 = arith.constant 0 : i32
    %dma_wait3A_67 = tpu.memref_slice %arg5[%add3A_63, %dma_wait3A_66] : memref<1024x4096xf32, #tpu.memory_space<hbm>> -> memref<1x4096xf32, #tpu.memory_space<hbm>>
    %dma_wait3A_68 = tpu.memref_squeeze %dma_wait3A_67 : memref<1x4096xf32, #tpu.memory_space<hbm>> -> memref<4096xf32, #tpu.memory_space<hbm>>
    %dma_wait3A_69 = arith.constant 0 : i32
    %dma_wait3A_70 = tpu.memref_slice %arg5[%add3A_63, %dma_wait3A_69] : memref<1024x4096xf32, #tpu.memory_space<hbm>> -> memref<1x4096xf32, #tpu.memory_space<hbm>>
    %dma_wait3A_71 = tpu.memref_squeeze %dma_wait3A_70 : memref<1x4096xf32, #tpu.memory_space<hbm>> -> memref<4096xf32, #tpu.memory_space<hbm>>
    %dma_wait3A_72 = arith.constant 0 : i32
    %dma_wait3A_73 = tpu.memref_slice %arg14[%dma_wait3A_72] : memref<8192xf32, #tpu.memory_space<vmem>> -> memref<4096xf32, #tpu.memory_space<vmem>>
    tpu.wait_dma2 semaphore(%arg18 : memref<!tpu.dma_semaphore, #tpu.memory_space<semaphore_mem>>) src(%dma_wait3A_73 : memref<4096xf32, #tpu.memory_space<vmem>>) dst(%dma_wait3A_71 : memref<4096xf32, #tpu.memory_space<hbm>>)
    %add3A_74 = arith.constant 1 : i32
    %add3A_75 = arith.addi %mul3A_2, %add3A_74 : i32
    %dma_wait3A_76 = arith.constant 4096 : i32
    %dma_wait3A_77 = tpu.memref_slice %arg14[%dma_wait3A_76] : memref<8192xf32, #tpu.memory_space<vmem>> -> memref<4096xf32, #tpu.memory_space<vmem>>
    %dma_wait3A_78 = arith.constant 0 : i32
    %dma_wait3A_79 = tpu.memref_slice %arg5[%add3A_75, %dma_wait3A_78] : memref<1024x4096xf32, #tpu.memory_space<hbm>> -> memref<1x4096xf32, #tpu.memory_space<hbm>>
    %dma_wait3A_80 = tpu.memref_squeeze %dma_wait3A_79 : memref<1x4096xf32, #tpu.memory_space<hbm>> -> memref<4096xf32, #tpu.memory_space<hbm>>
    %dma_wait3A_81 = arith.constant 0 : i32
    %dma_wait3A_82 = tpu.memref_slice %arg5[%add3A_75, %dma_wait3A_81] : memref<1024x4096xf32, #tpu.memory_space<hbm>> -> memref<1x4096xf32, #tpu.memory_space<hbm>>
    %dma_wait3A_83 = tpu.memref_squeeze %dma_wait3A_82 : memref<1x4096xf32, #tpu.memory_space<hbm>> -> memref<4096xf32, #tpu.memory_space<hbm>>
    %dma_wait3A_84 = arith.constant 4096 : i32
    %dma_wait3A_85 = tpu.memref_slice %arg14[%dma_wait3A_84] : memref<8192xf32, #tpu.memory_space<vmem>> -> memref<4096xf32, #tpu.memory_space<vmem>>
    tpu.wait_dma2 semaphore(%arg18 : memref<!tpu.dma_semaphore, #tpu.memory_space<semaphore_mem>>) src(%dma_wait3A_85 : memref<4096xf32, #tpu.memory_space<vmem>>) dst(%dma_wait3A_83 : memref<4096xf32, #tpu.memory_space<hbm>>)
    return
  }
}

</mosaic_0001>

<sc_bundles>
// kernel: kernel.3.cloned.1.call-start
scs
__scs_entry_jumppad:
0x0: {  	(pc) =	sbr.rel $0x88, $3  }
0x1: {  	(tag) =	ssettag $0x0;
	lr =	simm.s32 $0x1  }
0x2: {  	[smem:$0x3F9F] =	sst lr;
	_ =	strace $0xD0000000  }
0x3: {  	_ = 	snop  }
0x4: {  	_ = 	snop  }
0x5: {  	_ = 	snop  }
0x6: {  	_ = 	snop  }
0x7: {  	_ = 	snop  }
__scs_overlays_trampoline_lowered:
0x8: {  	[smem:$0x3FAE] =	sst s0  }
0x9: {  	[smem:$0x3FAF] =	sst s1  }
0xa: {  	[smem:$0x3FB0] =	sst s2  }
0xb: {  	[smem:$0x3FB1] =	sst s3  }
0xc: {  	[smem:$0x3FB2] =	sst s4  }
0xd: {  	[smem:$0x3FB3] =	sst s5  }
0xe: {  	[smem:$0x3FB4] =	sst s6  }
0xf: {  	[smem:$0x3FB5] =	sst s7  }
0x10: {  	[smem:$0x3FB6] =	sst s8  }
0x11: {  	[smem:$0x3FB7] =	sst s9;
	s0 =	simm.s32 @!p0 $0x0  }
0x12: {  	s1 =	sld [smem:$0x3F9D];
	s0 =	simm.s32 @p0 $0x1  }
0x13: {  	[smem:$0x3FB8] =	sst s0;
	s0 =	simm.s32 @!p1 $0x0  }
0x14: {  	s2 =	sld [smem:$0x3F9C];
	s0 =	simm.s32 @p1 $0x1  }
0x15: {  	[smem:$0x3FB9] =	sst s0;
	s0 =	simm.s32 @!p2 $0x0  }
0x16: {  	s3 =	sld [smem:$0x3FDB];
	s0 =	simm.s32 @p2 $0x1  }
0x17: {  	s4 =	simm.s32 $0x1BF5;
	[smem:$0x3FBB] =	sst s0  }
0x18: {  	s0 =	sld [smem:$0x3F9E];
	_ =	swait.ge [sflag:s4], $0x0  }
0x19: {  	s7 =	sld [smem:$0x3F9F]  }
0x1a: {  	s8 =	sadd.s32 $0xFFFFE003, lr  }
0x1b: {  	s9 =	sadd.s32 $0xFFFFFEF7, lr;
	s5 =	simm.s32 $0xFFFFFFFF;
	p2 =	slt.u32 s8, $0xFFFFF086  }
0x1c: {  	p1 =	slt.u32 s9, $0xF7A;
	s5 =	simm.s32 @!p2 $0x0  }
0x1d: {  	s5 =	simm.s32 @p1 $0x1;
	p0 =	seq.s32 s7, s2  }
0x1e: {  	s7 =	smul.u32 @!p0 $0xF7A, s2;
	p2 =	seq.s32 @!p0 s5, $0x0  }
0x1f: {  	s9 =	smul.u32 $0xF7A, s1;
	s8 =	simm.s32 @!p0 $0x1BF5;
	p2 =	por !p2, p0  }
0x20: {  	[sflag:s8] =	ssyncset.s32 @!p0 $0xFFFFF086;
	s6 =	sadd.s32 @!p0 s3, s7;
	s7 =	simm.s32 @!p0 $0x108  }
0x21: {  	s3 =	sadd.s32 s3, s9;
	s6 =	sadd.s32 @!p0 $0x88, s6;
	s7 =	simm.s32 @p2 $0x1082  }
0x22: {  	[simem:s7], [sflag:s8] =	dma.local @!p0 [hbm:s6], $0xF7A  }
0x23: {  	s9 =	sor.u32 $0xD0000000, s2;
	s6 =	simm.s32 $0x108;
	_ =	swait.ge @!p0 [sflag:s8], $0x0  }
0x24: {  	s3 =	sadd.s32 $0x88, s3;
	s6 =	simm.s32 @!p1 $0x1082;
	[sflag:s4] =	ssyncset.s32 $0xFFFFF086  }
0x25: {  	[simem:s6], [sflag:s4] =	dma.local [hbm:s3], $0xF7A  }
0x26: {  	[smem:$0x3F9F] =	sst s1;
	(tag) =	ssettag s2;
	_ =	strace s9  }
0x27: {  	s1 =	sld [smem:$0x3FAF]  }
0x28: {  	s2 =	sld [smem:$0x3FB0]  }
0x29: {  	s4 =	sld [smem:$0x3FB2]  }
0x2a: {  	p0 =	seq.s32 s5, $0x0;
	s5 =	sld [smem:$0x3FB3]  }
0x2b: {  	s6 =	sld [smem:$0x3FB4]  }
0x2c: {  	s7 =	sld [smem:$0x3FB5]  }
0x2d: {  	s3 =	simm.s32 $0x108;
	s8 =	sld [smem:$0x3FB6]  }
0x2e: {  	s3 =	simm.s32 @!p0 $0x1082;
	s9 =	sld [smem:$0x3FB7]  }
0x2f: {  	lr =	sadd.s32 s0, s3;
	s0 =	sld [smem:$0x3FAE]  }
0x30: {  	s3 =	sld [smem:$0x3FB1]  }
0x31: {  	[smem:$0x3FBA] =	sst s10  }
0x32: {  	s10 =	sld [smem:$0x3FB8];
	_ =	sdelay $0x3  }
0x33: {  	p0 =	seq.s32 s10, $0x1;
	s10 =	sld [smem:$0x3FBA];
	_ =	sdelay $0x3  }
0x34: {  	[smem:$0x3FBA] =	sst s10  }
0x35: {  	s10 =	sld [smem:$0x3FB9];
	_ =	sdelay $0x3  }
0x36: {  	p1 =	seq.s32 s10, $0x1;
	s10 =	sld [smem:$0x3FBA];
	_ =	sdelay $0x3  }
0x37: {  	[smem:$0x3FBA] =	sst s10  }
0x38: {  	s10 =	sld [smem:$0x3FBB]  }
0x39: {  	_ = 	snop;
	(pc) =	sbr.ind lr, $3  }
0x3a: {  	_ = 	snop  }
0x3b: {  	_ = 	snop  }
0x3c: {  	p2 =	seq.s32 s10, $0x1;
	s10 =	sld [smem:$0x3FBA]  }
0x3d: {  	_ =	shalt  }
0x3e: {  	_ =	shalt  }
0x3f: {  	_ =	shalt  }
0x40: {  	_ =	shalt  }
0x41: {  	_ =	shalt  }
0x42: {  	_ =	shalt  }
0x43: {  	_ =	shalt  }
0x44: {  	_ =	shalt  }
0x45: {  	_ =	shalt  }
0x46: {  	_ =	shalt  }
0x47: {  	_ =	shalt  }
0x48: {  	_ =	shalt  }
0x49: {  	_ =	shalt  }
0x4a: {  	_ =	shalt  }
0x4b: {  	_ =	shalt  }
0x4c: {  	_ =	shalt  }
0x4d: {  	_ =	shalt  }
0x4e: {  	_ =	shalt  }
0x4f: {  	_ =	shalt  }
0x50: {  	_ =	shalt  }
0x51: {  	_ =	shalt  }
0x52: {  	_ =	shalt  }
0x53: {  	_ =	shalt  }
0x54: {  	_ =	shalt  }
0x55: {  	_ =	shalt  }
0x56: {  	_ =	shalt  }
0x57: {  	_ =	shalt  }
0x58: {  	_ =	shalt  }
0x59: {  	_ =	shalt  }
0x5a: {  	_ =	shalt  }
0x5b: {  	_ =	shalt  }
0x5c: {  	_ =	shalt  }
0x5d: {  	_ =	shalt  }
0x5e: {  	_ =	shalt  }
0x5f: {  	_ =	shalt  }
0x60: {  	_ =	shalt  }
0x61: {  	_ =	shalt  }
0x62: {  	_ =	shalt  }
0x63: {  	_ =	shalt  }
0x64: {  	_ =	shalt  }
0x65: {  	_ =	shalt  }
0x66: {  	_ =	shalt  }
0x67: {  	_ =	shalt  }
0x68: {  	_ =	shalt  }
0x69: {  	_ =	shalt  }
0x6a: {  	_ =	shalt  }
0x6b: {  	_ =	shalt  }
0x6c: {  	_ =	shalt  }
0x6d: {  	_ =	shalt  }
0x6e: {  	_ =	shalt  }
0x6f: {  	_ =	shalt  }
0x70: {  	_ =	shalt  }
0x71: {  	_ =	shalt  }
0x72: {  	_ =	shalt  }
0x73: {  	_ =	shalt  }
0x74: {  	_ =	shalt  }
0x75: {  	_ =	shalt  }
0x76: {  	_ =	shalt  }
0x77: {  	_ =	shalt  }
0x78: {  	_ =	shalt  }
0x79: {  	_ =	shalt  }
0x7a: {  	_ =	shalt  }
0x7b: {  	_ =	shalt  }
0x7c: {  	_ =	shalt  }
0x7d: {  	_ =	shalt  }
0x7e: {  	_ =	shalt  }
0x7f: {  	_ =	shalt  }
0x80: {  	_ =	shalt  }
0x81: {  	_ =	shalt  }
0x82: {  	_ =	shalt  }
0x83: {  	_ =	shalt  }
0x84: {  	_ =	shalt  }
0x85: {  	_ =	shalt  }
0x86: {  	_ =	shalt  }
0x87: {  	_ =	shalt  }
.Lfunc_end0:
.L_simem_size_0:
called_computation_lowered:
.L_overlay_start_0:
0x88: {  	s2 =	sld [smem:$0x3FD9]  }
0x89: {  	s3 =	sld [smem:$0x3FFE];
	_ =	sdelay $0x1  }
0x8a: {  	s1 =	srdreg.scid  }
0x8b: {  	s0 =	sand.u32 $0x1, s1  }
0x8c: {  	s17 =	sshll.u32 s0, $0xA;
	s2 =	sadd.s32 s3, s2  }
0x8d: {  	s2 =	sadd.s32 s2, s17  }
0x8e: {  	[smem:$0x3FC6] =	sst s2  }
0x8f: {  	_ = 	snop  }
0x90: {  	s2 =	sld [smem:$0x3FC9]  }
0x91: {  	s18 =	sld [smem:$0x3FD0];
	(tm) =	ssettm $0x1  }
0x92: {  	s4 =	sld [smem:$0x3FFB];
	_ =	sdelay $0x3  }
0x93: {  	_ =	strace s4  }
0x94: {  	s4 =	sld [smem:$0x3FFC];
	_ =	sdelay $0x3  }
0x95: {  	_ =	strace s4  }
0x96: {  	s4 =	sld [smem:$0x3FFD];
	_ =	sdelay $0x3  }
0x97: {  	_ =	strace s4  }
0x98: {  	_ =	strace $0x8FFFFFFF  }
0x99: {  	s19 =	sld [smem:$0x3FDB];
	_ =	sdelay $0x1  }
0x9a: {  	s5 =	simm.s32 $_scs_section_size  }
0x9b: {  	s6 =	simm.s32 $_size__tile_overlayer_lowered;
	s7 =	simm.s32 $_tile_overlayer_lowered  }
0x9c: {  	s22 =	simm.s32 $0x1BFF;
	s21 =	sshll.u32 s7, $0x1;
	s4 =	sadd.s32 s5, s19  }
0x9d: {  	s8 =	simm.s32 $0x0;
	s20 =	sshll.u32 s6, $0x1;
	s6 =	sadd.s32 s21, s4  }
0x9e: {  	[timem:s8], [sflag:s22] =	dma.local [hbm:s6], s20  }
0x9f: {  	_ =	swait.ge [sflag:s22], s20  }
0xa0: {  	s5 =	ssub.s32 $0x0, s20;
	[sflag:s22] =	ssyncset.done $0x0  }
0xa1: {  	[sflag:s22] =	ssyncadd.s32 s5;
	_ =	sdelay $0x1  }
0xa2: {  	s23 =	simm.s32 $0x1B8B  }
0xa3: {  	_ =	swait.ge [sflag:s23], $0x1  }
0xa4: {  	[sflag:s23] =	ssyncset.done $0x0  }
0xa5: {  	s25 =	simm.s32 $0x1B8E;
	s24 =	sld [smem:$0x3FFE];
	[sflag:s23] =	ssyncadd.s32 $0xFFFFFFFF  }
0xa6: {  	s26 =	simm.s32 $execute0_lowered;
	[smem:$0x3FD2] =	sst s25  }
0xa7: {  	s6 =	sshll.u32 s26, $0x1;
	_ =	strace $0x80000046;
	[dreg:$0x1] =	wrdreg $0xFFFFFFFF  }
0xa8: {  	s28 =	simm.s32 $_size_execute0_lowered;
	s4 =	sadd.s32 s4, s6;
	[dreg:$0x0] =	wrdreg $0x0  }
0xa9: {  	s6 =	sshll.u32 s28, $0x1;
	[dreg:$0x2] =	wrdreg s4  }
0xaa: {  	[dreg:$0x3] =	wrdreg s6  }
0xab: {  	[dreg:$0x4] =	wrdreg $0xC0  }
0xac: {  	_ =	task [dreg:s8], $0x5FFFF  }
0xad: {  	[dreg:$0x1] =	wrdreg $0xFFFFFFFF  }
0xae: {  	[dreg:$0x0] =	wrdreg $0x60  }
0xaf: {  	[dreg:$0x2] =	wrdreg s2  }
0xb0: {  	[dreg:$0x3] =	wrdreg s24  }
0xb1: {  	[dreg:$0x4] =	wrdreg s18  }
0xb2: {  	[dreg:$0x5] =	wrdreg $0x9  }
0xb3: {  	_ =	task.clear_ibuf [dreg:s8], $0x6FFFF;
	_ =	strace $0x90000046  }
0xb4: {  	s29 =	simm.s32 $0x9;
	_ =	strace $0x80000048  }
0xb5: {  	_ =	swait.ge [sflag:s29], $0x1  }
0xb6: {  	[sflag:s29] =	ssyncadd.s32 $0xFFFFFFFF  }
0xb7: {  	_ =	strace $0x90000048  }
0xb8: {  	_ =	sfence  }
0xb9: {  	s30 =	sld [smem:$0x0];
	_ =	sdelay $0x2  }
0xba: {  	s31 =	sshll.u32 s1, $0xD;
	s1 =	sshrl.u32 s1, $0x2  }
0xbb: {  	s3 =	sand.u32 $0x4000, s31;
	s1 =	sadd.s32 s1, s30  }
0xbc: {  	s0 =	sor.u32 s3, s0;
	s1 =	sshll.u32 s1, $0x11  }
0xbd: {  	s0 =	sor.u32 s1, s0  }
0xbe: {  	s0 =	sadd.s32 $0x8F2B, s0  }
0xbf: {  	[sflag:s0] =	ssyncadd.remote.s32 $0x1  }
0xc0: {  	_ =	sfence.sel $0xFFFF  }
0xc1: {  	[dreg:$0x0] =	wrdreg $0xFFFFFFFF;
	(pc) =	sbr.abs _section_cstart, $3  }
0xc2: {  	[dreg:$0x1] =	wrdreg $0xFFFFFFFF  }
0xc3: {  	_ =	task.clear_ibuf [dreg:s8], $0x2FFFF;
	_ =	strace $0x9FFFFFFF  }
0xc4: {  	(tm) =	ssettm $0x7FFFFFFF  }
0xc5: {  	_ =	shalt  }
tec
execute0_lowered:
.L_overlay_start_1:
0x0: {  	(tag) =	ssettag $0x1  }
0x1: {  	s1 =	rddreg [dreg:$0x0]  }
0x2: {  	s0 =	rddreg [dreg:$0x1]  }
0x3: {  	s3 =	rddreg [dreg:$0x2];
	s2 =	srdreg.scid;
	s4 =	simm.s32 $0x0  }
0x4: {  	s7 =	stileid.u32;
	s13 =	simm.s32 $0x80;
	s17 =	simm.s32 $0x5000  }
0x5: {  	s18 =	simm.s32 $0x1;
	s19 =	simm.s32 $0xD000;
	s20 =	simm.s32 $0x9000  }
0x6: {  	s21 =	simm.s32 $0x400;
	s24 =	simm.s32 $0x2;
	s28 =	simm.s32 $0x18000  }
0x7: {  	s30 =	simm.s32 $0x4;
	s2 =	sand.u32 $0x1, s2;
	[smem:$0x7FF] =	sst s4  }
0x8: {  	s5 =	sshll.u32 s7, $0x6;
	s7 =	sshrl.u32 s7, $0x2;
	s6 =	sshll.u32 s2, $0x5  }
0x9: {  	_ =	strace $0x80000047;
	s8 =	sshll.u32 s7, $0x4;
	s2 =	ssub.s32 $0x2, s2  }
0xa: {  	s7 =	sshll.u32 s7, $0x16;
	s5 =	sor.u32 s6, s5;
	s0 =	sadd.s32 s8, s0  }
0xb: {  	s9 =	sshrl.u32 s2, $0x1;
	s6 =	sand.u32 $0xE0, s5;
	s26 =	sadd.s32 $0x1000, s0  }
0xc: {  	s0 =	sadd.s32 $0x800, s0;
	s10 =	sshll.u32 s6, $0xE;
	[dreg:$0x4] =	wrdreg s26  }
0xd: {  	s2 =	ssub.s32 s2, s9;
	[dreg:$0x5] =	wrdreg s0;
	s25 =	sor.u32 s7, s10  }
0xe: {  	s11 =	sor.u32 $0x4, s6;
	s31 =	smax.u32 s2, $0x1;
	s29 =	sshrl.u32 s25, $0x3  }
0xf: {  	s26 =	simm.s32 $0x17000;
	[dreg:$0x7] =	wrdreg s31;
	s0 =	sadd.s32 s1, s29  }
0x10: {  	v0 =	vimm.s32 $0x0;
	s2 =	simm.s32 $0x0;
	s25 =	simm.s32 $0x11000;
	[dreg:$0x6] =	wrdreg s0  }
.LBB2_1:
0x11: {  	[dreg:$0x8] =	wrdreg s2  }
0x12: {  	s0 =	rddreg [dreg:$0x4];
	s15 =	simm.s32 $0x200;
	s8 =	simm.s32 $0x5  }
0x13: {  	[tilespmem:s4], [sflag:$0x5] =	stream.strided.gather [hbm4b:s0+s13], $0x1000, s15, s13, $0x38;
	[tilespmem:$0x19000] =	vst v63  }
0x14: {  	_ =	swait.ge [sflag:s8], $0x1000  }
0x15: {  	[sflag:s8] =	ssyncset.done $0x0  }
0x16: {  	s9 =	simm.s32 $0x1000;
	s16 =	rddreg [dreg:$0x5];
	[sflag:s8] =	ssyncadd.s32 $0xFFFFF000  }
0x17: {  	[tilespmem:s9], [sflag:$0x5] =	stream.strided.gather [hbm4b:s16+s13], $0x1000, s15, s13, $0x38;
	[tilespmem:$0x19000] =	vst v63  }
0x18: {  	_ =	swait.ge [sflag:s8], $0x1000  }
0x19: {  	[sflag:s8] =	ssyncset.done $0x0  }
0x1a: {  	s23 =	simm.s32 $0x10;
	s22 =	rddreg [dreg:$0x6];
	[sflag:s8] =	ssyncadd.s32 $0xFFFFF000  }
0x1b: {  	[tilespmem:s17], [sflag:$0x1] =	stream.linear.gather [hbm4b:s22+s4], $0x8000, $0x38;
	[tilespmem:$0x19000] =	vst v63  }
0x1c: {  	s29 =	simm.s32 $0x1010;
	v1 =	vld [tilespmem:s23+$0x0]  }
0x1d: {  	v2 =	vld [tilespmem:s29+$0x0]  }
0x1e: {  	v3 =	vld [tilespmem:s23+$0xFFFFFFF0]  }
0x1f: {  	v4 =	vld [tilespmem:s29+$0xFFFFFFF0];
	_ =	sdelay $0x2  }
0x20: {  	v5 =	vmul.f32 $2.500000000e-01, v1  }
0x21: {  	v6 =	vmul.f32 $2.500000000e-01, v2;
	vm0 =	vgt.f32 v3, $1.000000010e-10;
	v3 =	vmul.f32 $2.500000000e-01, v3  }
0x22: {  	vm1 =	vgt.f32 v4, $1.000000010e-10;
	v4 =	vmul.f32 $2.500000000e-01, v4;
	v7 =	vtrunc.f32 v5  }
0x23: {  	v8 =	vtrunc.f32 v6;
	v7 =	vcvt.f32.s32 v7  }
0x24: {  	vm2 =	vgt.f32 v2, $1.000000010e-10;
	v9 =	vsel vm0, $0x1, v0;
	v8 =	vcvt.f32.s32 v8  }
0x25: {  	v10 =	vsel vm1, $0x1, v0;
	vm1 =	vgt.f32 v1, $1.000000010e-10;
	vm0 =	vgt.s32 v7, $0x0  }
0x26: {  	v12 =	vsel vm2, $0x1, v0;
	v1 =	vnsel vm0, $0x0, v7;
	vm0 =	vgt.s32 v8, $0x0  }
0x27: {  	v2 =	vnsel vm0, $0x0, v8;
	v7 =	vcvt.s32.f32 v1;
	v8 =	vsel vm1, $0x1, v0  }
0x28: {  	v11 =	vtrunc.f32 v3;
	v13 =	vcvt.s32.f32 v2;
	v8 =	vadd.s32 v8, v12  }
0x29: {  	v11 =	vcvt.f32.s32 v11;
	vm0 =	vgt.f32 v5, v7;
	v12 =	vcvt.s32.f32 v8  }
0x2a: {  	v8 =	vshll.u32 v8, $0x1C;
	v14 =	vsel vm0, $0x1, v0;
	vm0 =	vgt.f32 v6, v13  }
0x2b: {  	v5 =	vsub.f32 v5, v7;
	v14 =	vadd.s32 v14, v1;
	v15 =	vsel vm0, $0x1, v0  }
0x2c: {  	v12 =	vmul.f32 $5.000000000e-01, v12;
	v1 =	vshll.u32 v1, $0xE;
	vm0 =	vlt.s32 v14, $0x7F  }
0x2d: {  	v15 =	vadd.s32 v15, v2;
	v1 =	vor.u32 v8, v1;
	v8 =	vtrunc.f32 v4  }
0x2e: {  	v14 =	vnsel vm0, $0x7F, v14;
	vm0 =	vlt.s32 v15, $0x7F;
	v12 =	vmul.f32 v12, v5  }
0x2f: {  	v15 =	vnsel vm0, $0x7F, v15;
	v14 =	vshll.u32 v14, $0x15;
	vm0 =	vgt.s32 v11, $0x0  }
0x30: {  	s31 =	simm.s32 $0x30;
	v7 =	vshll.u32 v15, $0x7;
	v1 =	vor.u32 v14, v1;
	v5 =	vnsel vm0, $0x0, v11  }
0x31: {  	s2 =	simm.s32 $0x1030;
	v14 =	vld [tilespmem:s31+$0x0];
	v1 =	vor.u32 v7, v1;
	v7 =	vcvt.f32.s32 v8;
	v11 =	vcvt.s32.f32 v5  }
0x32: {  	v8 =	vor.u32 v2, v1;
	v2 =	vadd.s32 v9, v10;
	v9 =	vsub.f32 v6, v13;
	v6 =	vld [tilespmem:s2+$0x0]  }
0x33: {  	v10 =	vcvt.s32.f32 v2;
	vm0 =	vgt.s32 v7, $0x0  }
0x34: {  	v2 =	vshll.u32 v2, $0x1C;
	v15 =	vsub.f32 v3, v11;
	v1 =	vnsel vm0, $0x0, v7  }
0x35: {  	v7 =	vshll.u32 v5, $0xE;
	vm0 =	vgt.f32 v3, v11;
	v13 =	vcvt.s32.f32 v1  }
0x36: {  	v3 =	vmul.f32 $5.000000000e-01, v10;
	v10 =	vsel vm0, $0x1, v0;
	v11 =	vmul.f32 $2.500000000e-01, v14  }
0x37: {  	v7 =	vor.u32 v2, v7;
	v5 =	vadd.s32 v10, v5;
	v10 =	vmul.f32 $2.500000000e-01, v6  }
0x38: {  	vm0 =	vgt.f32 v4, v13;
	vm1 =	vlt.s32 v5, $0x7F;
	v2 =	vtrunc.f32 v11  }
0x39: {  	v3 =	vmul.f32 v3, v15;
	vm2 =	vgt.f32 v6, $1.000000010e-10;
	v16 =	vsel vm0, $0x1, v0  }
0x3a: {  	v17 =	vcvt.f32.s32 v2;
	v2 =	vsub.f32 v4, v13;
	v18 =	vtrunc.f32 v10  }
0x3b: {  	v5 =	vnsel vm1, $0x7F, v5;
	v20 =	vsel vm2, $0x1, v0;
	v4 =	vcvt.f32.s32 v18  }
0x3c: {  	v13 =	vadd.s32 v16, v1;
	v5 =	vshll.u32 v5, $0x15;
	vm0 =	vgt.s32 v17, $0x0  }
0x3d: {  	vm1 =	vlt.s32 v13, $0x7F;
	v15 =	vnsel vm0, $0x0, v17;
	vm0 =	vgt.s32 v4, $0x0  }
0x3e: {  	v13 =	vnsel vm1, $0x7F, v13;
	v17 =	vcvt.s32.f32 v15;
	v59 =	vnsel vm0, $0x0, v4  }
0x3f: {  	v4 =	vor.u32 v5, v7;
	v5 =	vshll.u32 v13, $0x7;
	vm0 =	vgt.f32 v14, $1.000000010e-10;
	v13 =	vld [tilespmem:s31+$0xFFFFFFF0]  }
0x40: {  	v14 =	vld [tilespmem:s2+$0xFFFFFFF0];
	v7 =	vcvt.s32.f32 v59;
	vm1 =	vgt.f32 v11, v17;
	v60 =	vsel vm0, $0x1, v0  }
0x41: {  	v11 =	vsub.f32 v11, v17;
	v6 =	vsel vm1, $0x1, v0;
	v18 =	vadd.s32 v60, v20  }
0x42: {  	vm1 =	vgt.f32 v10, v7;
	v6 =	vadd.s32 v6, v15;
	v20 =	vshll.u32 v18, $0x1C  }
0x43: {  	v18 =	vcvt.s32.f32 v18;
	v19 =	vsel vm1, $0x1, v0;
	vm0 =	vlt.s32 v6, $0x7F  }
0x44: {  	v15 =	vshll.u32 v15, $0xE;
	v19 =	vadd.s32 v19, v59;
	v6 =	vnsel vm0, $0x7F, v6  }
0x45: {  	v21 =	vmul.f32 $2.500000000e-01, v13;
	vm1 =	vgt.f32 v14, $1.000000010e-10;
	v18 =	vmul.f32 $5.000000000e-01, v18  }
0x46: {  	vm0 =	vlt.s32 v19, $0x7F;
	v62 =	vshll.u32 v6, $0x15;
	v6 =	vmul.f32 $2.500000000e-01, v14  }
0x47: {  	v63 =	vsel vm1, $0x1, v0;
	v19 =	vnsel vm0, $0x7F, v19;
	vm0 =	vgt.f32 v13, $1.000000010e-10  }
0x48: {  	v13 =	vor.u32 v20, v15;
	v61 =	vtrunc.f32 v21;
	v11 =	vmul.f32 v18, v11  }
0x49: {  	s8 =	simm.s32 $0x2010;
	v14 =	vcvt.f32.s32 v61;
	v13 =	vor.u32 v62, v13;
	v19 =	vshll.u32 v19, $0x7  }
0x4a: {  	s9 =	simm.s32 $0x3010;
	[tilespmem:s8+$0x0] =	vst v8;
	v15 =	vsel vm0, $0x1, v0;
	v8 =	vtrunc.f32 v6;
	v13 =	vor.u32 v19, v13  }
0x4b: {  	s10 =	simm.s32 $0x4010;
	[tilespmem:s9+$0x0] =	vst v12;
	v8 =	vcvt.f32.s32 v8;
	vm0 =	vgt.s32 v14, $0x0;
	v12 =	vor.u32 v59, v13  }
0x4c: {  	s12 =	simm.s32 $0x2030;
	[tilespmem:s10+$0x0] =	vst v9;
	v13 =	vadd.s32 v15, v63;
	v9 =	vnsel vm0, $0x0, v14;
	v14 =	vsub.f32 v10, v7  }
0x4d: {  	s14 =	simm.s32 $0x3030;
	[tilespmem:s12+$0x0] =	vst v12;
	v10 =	vcvt.s32.f32 v13;
	vm0 =	vgt.s32 v8, $0x0;
	v15 =	vcvt.s32.f32 v9  }
0x4e: {  	s15 =	simm.s32 $0x4030;
	v13 =	vshll.u32 v13, $0x1C;
	[tilespmem:s14+$0x0] =	vst v11;
	v7 =	vnsel vm0, $0x0, v8;
	v12 =	vshll.u32 v9, $0xE  }
0x4f: {  	s16 =	simm.s32 $0x20;
	s22 =	simm.s32 $0x50;
	[tilespmem:s15+$0x0] =	vst v14;
	v8 =	vcvt.s32.f32 v7;
	v11 =	vsub.f32 v21, v15;
	vm0 =	vgt.f32 v21, v15  }
.LBB2_2:
0x50: {  	v14 =	vld [tilespmem:s22+$0x0];
	v10 =	vmul.f32 $5.000000000e-01, v10;
	v15 =	vsel vm0, $0x1, v0;
	v12 =	vor.u32 v13, v12;
	s2 =	sadd.s32 $0x20, s2  }
0x51: {  	v4 =	vor.u32 v5, v4;
	v13 =	vld [tilespmem:s2+$0x0];
	v9 =	vadd.s32 v15, v9;
	vm0 =	vgt.f32 v6, v8  }
0x52: {  	s16 =	sadd.s32 $0x20, s16;
	v15 =	vld [tilespmem:s22+$0xFFFFFFF0];
	vm1 =	vlt.s32 v9, $0x7F;
	v5 =	vsel vm0, $0x1, v0;
	v10 =	vmul.f32 v10, v11  }
0x53: {  	p0 =	slt.u32 s16, $0xFE0;
	v6 =	vsub.f32 v6, v8;
	v11 =	vld [tilespmem:s2+$0xFFFFFFF0];
	v8 =	vnsel vm1, $0x7F, v9;
	v5 =	vadd.s32 v5, v7  }
0x54: {  	v9 =	vor.u32 v1, v4;
	v1 =	vmovc v7;
	vm0 =	vlt.s32 v5, $0x7F;
	v8 =	vshll.u32 v8, $0x15  }
0x55: {  	v7 =	vmul.f32 $2.500000000e-01, v14;
	v5 =	vnsel vm0, $0x7F, v5;
	v4 =	vor.u32 v8, v12;
	[tilespmem:s8+$0xFFFFFFF0] =	vst v9;
	s8 =	smov.u32 s12  }
0x56: {  	v8 =	vmul.f32 $2.500000000e-01, v13;
	v5 =	vshll.u32 v5, $0x7;
	[tilespmem:s9+$0xFFFFFFF0] =	vst v3;
	v3 =	vmov v10;
	s9 =	smov.u32 s14  }
0x57: {  	vm0 =	vgt.f32 v15, $1.000000010e-10;
	v15 =	vmul.f32 $2.500000000e-01, v15;
	v9 =	vtrunc.f32 v7;
	[tilespmem:s10+$0xFFFFFFF0] =	vst v2;
	v2 =	vmovc v6;
	s10 =	smov.u32 s15  }
0x58: {  	vm1 =	vgt.f32 v11, $1.000000010e-10;
	v9 =	vcvt.f32.s32 v9;
	v10 =	vtrunc.f32 v8  }
0x59: {  	v12 =	vsel vm0, $0x1, v0;
	v6 =	vmul.f32 $2.500000000e-01, v11;
	v10 =	vcvt.f32.s32 v10  }
0x5a: {  	v11 =	vsel vm1, $0x1, v0;
	v16 =	vtrunc.f32 v15;
	vm0 =	vgt.s32 v9, $0x0  }
0x5b: {  	vm1 =	vgt.f32 v14, $1.000000010e-10;
	v9 =	vnsel vm0, $0x0, v9;
	vm0 =	vgt.s32 v10, $0x0  }
0x5c: {  	vm2 =	vgt.f32 v13, $1.000000010e-10;
	v10 =	vnsel vm0, $0x0, v10;
	v13 =	vcvt.s32.f32 v9  }
0x5d: {  	v17 =	vsel vm2, $0x1, v0;
	v14 =	vsel vm1, $0x1, v0;
	v18 =	vcvt.s32.f32 v10  }
0x5e: {  	v16 =	vcvt.f32.s32 v16;
	v14 =	vadd.s32 v14, v17;
	vm0 =	vgt.f32 v7, v13  }
0x5f: {  	v17 =	vcvt.s32.f32 v14;
	v19 =	vsel vm0, $0x1, v0;
	vm0 =	vgt.f32 v8, v18  }
0x60: {  	v14 =	vshll.u32 v14, $0x1C;
	v19 =	vadd.s32 v19, v9;
	v20 =	vsel vm0, $0x1, v0  }
0x61: {  	v17 =	vmul.f32 $5.000000000e-01, v17;
	vm0 =	vlt.s32 v19, $0x7F;
	v20 =	vadd.s32 v20, v10  }
0x62: {  	v9 =	vshll.u32 v9, $0xE;
	v19 =	vnsel vm0, $0x7F, v19;
	vm0 =	vlt.s32 v20, $0x7F  }
0x63: {  	v9 =	vor.u32 v14, v9;
	v20 =	vnsel vm0, $0x7F, v20;
	v19 =	vshll.u32 v19, $0x15  }
0x64: {  	v7 =	vsub.f32 v7, v13;
	v13 =	vshll.u32 v20, $0x7;
	v9 =	vor.u32 v19, v9  }
0x65: {  	v14 =	vtrunc.f32 v6;
	vm0 =	vgt.s32 v16, $0x0;
	v9 =	vor.u32 v13, v9  }
.Ltmp0:
0x66: {  	s12 =	sadd.s32 $0x20, s12;
	v7 =	vmul.f32 v17, v7;
	v13 =	vcvt.f32.s32 v14;
	v10 =	vor.u32 v10, v9;
	(pc) =	sbr.rel @p0 .LBB2_2-.Ltmp0, $4  }
0x67: {  	s14 =	sadd.s32 $0x20, s14;
	v11 =	vadd.s32 v12, v11;
	v8 =	vsub.f32 v8, v18;
	v9 =	vnsel vm0, $0x0, v16;
	[tilespmem:s12+$0x0] =	vst v10  }
0x68: {  	s15 =	sadd.s32 $0x20, s15;
	v10 =	vcvt.s32.f32 v11;
	vm0 =	vgt.s32 v13, $0x0;
	v14 =	vcvt.s32.f32 v9;
	[tilespmem:s14+$0x0] =	vst v7  }
0x69: {  	s0 =	simm.s32 $0x0;
	v12 =	vshll.u32 v9, $0xE;
	v7 =	vnsel vm0, $0x0, v13;
	v13 =	vshll.u32 v11, $0x1C;
	[tilespmem:s15+$0x0] =	vst v8  }
0x6a: {  	s22 =	sadd.s32 $0x20, s22;
	v8 =	vcvt.s32.f32 v7;
	v11 =	vsub.f32 v15, v14;
	vm0 =	vgt.f32 v15, v14  }
0x6b: {  	_ = 	snop  }
0x6c: {  	v14 =	vsel vm0, $0x1, v0;
	vm13 =	vgt.f32 v6, v8  }
0x6d: {  	v9 =	vadd.s32 v14, v9;
	v59 =	vsel vm13, $0x1, v0  }
0x6e: {  	v12 =	vor.u32 v13, v12;
	vm14 =	vlt.s32 v9, $0x7F;
	v60 =	vadd.s32 v59, v7  }
0x6f: {  	v4 =	vor.u32 v5, v4;
	v61 =	vnsel vm14, $0x7F, v9;
	vm15 =	vlt.s32 v60, $0x7F  }
0x70: {  	v1 =	vor.u32 v1, v4;
	v5 =	vshll.u32 v61, $0x15;
	v62 =	vnsel vm15, $0x7F, v60  }
0x71: {  	v63 =	vmul.f32 $5.000000000e-01, v10;
	[tilespmem:s8+$0xFFFFFFF0] =	vst v1;
	v5 =	vor.u32 v5, v12;
	v1 =	vshll.u32 v62, $0x7  }
0x72: {  	[tilespmem:s9+$0xFFFFFFF0] =	vst v3;
	v1 =	vor.u32 v1, v5  }
0x73: {  	v3 =	vmul.f32 v63, v11;
	[tilespmem:s10+$0xFFFFFFF0] =	vst v2;
	v1 =	vor.u32 v7, v1  }
0x74: {  	v2 =	vsub.f32 v6, v8;
	[tilespmem:s12+$0xFFFFFFF0] =	vst v1  }
0x75: {  	[tilespmem:s14+$0xFFFFFFF0] =	vst v3  }
0x76: {  	[tilespmem:s15+$0xFFFFFFF0] =	vst v2  }
.LBB2_4:
0x77: {  	s8 =	sshll.u32 s0, $0x2  }
0x78: {  	s2 =	sor.u32 $0x2, s8  }
0x79: {  	s9 =	sadd.s32 s6, s2  }
0x7a: {  	s9 =	sshll.u32 s9, $0xE  }
0x7b: {  	_ =	swait.ge [sflag:s18], $0x8000;
	s9 =	sadd.s32 s7, s9  }
0x7c: {  	[sflag:s18] =	ssyncset.done $0x0;
	s9 =	sshrl.u32 s9, $0x3  }
0x7d: {  	p0 =	seq.s32 s0, $0x0;
	[sflag:s18] =	ssyncadd.s32 $0xFFFF8000;
	s9 =	sadd.s32 s1, s9  }
0x7e: {  	[tilespmem:s19], [sflag:$0x2] =	stream.linear.gather [hbm4b:s9+s4], $0x8000, $0x38;
	[tilespmem:$0x19000] =	vst v63  }
0x7f: {  	s9 =	simm.s32 @!p0 $0x3  }
0x80: {  	_ =	swait.ge @!p0 [sflag:s9], $0x1000  }
0x81: {  	[sflag:s9] =	ssyncset.done @!p0 $0x0  }
0x82: {  	[sflag:s9] =	ssyncadd.s32 @!p0 $0xFFFFF000  }
0x83: {  	_ =	swait.ge @!p0 [sflag:s9], $0x1000  }
0x84: {  	[sflag:s9] =	ssyncset.done @!p0 $0x0  }
0x85: {  	s15 =	simm.s32 $0x2020;
	[sflag:s9] =	ssyncadd.s32 @!p0 $0xFFFFF000  }
0x86: {  	v2 =	vld [tilespmem:s15+$0xFFFFFFE0];
	_ =	sdelay $0x1  }
0x87: {  	v3 =	vld [tilespmem:s15+$0x0]  }
0x88: {  	v12 =	vld [tilespmem:s15+$0xFFFFFFF0];
	_ =	sdelay $0x1  }
0x89: {  	v1 =	vshrl.u32 v2, $0x15  }
0x8a: {  	v4 =	vand.u32 $0x3F80, v2;
	v5 =	vshrl.u32 v2, $0xE;
	v6 =	vshll.u32 v2, $0x7  }
0x8b: {  	v7 =	vshrl.u32 v3, $0xE;
	v8 =	vshrl.u32 v3, $0x15;
	v15 =	vand.u32 $0x3F80, v3  }
0x8c: {  	s10 =	simm.s32 $0x3020;
	v9 =	vld [tilespmem:s15+$0x10];
	v23 =	vshrl.u32 v12, $0x15;
	v24 =	vand.u32 $0x3F80, v12;
	v1 =	vand.u32 $0x7F, v1  }
0x8d: {  	v10 =	vld [tilespmem:s10+$0xFFFFFFE0];
	v5 =	vand.u32 $0x7F, v5;
	v7 =	vand.u32 $0x7F, v7;
	v8 =	vand.u32 $0x7F, v8  }
0x8e: {  	s22 =	simm.s32 $0x2060;
	v30 =	vld [tilespmem:s10+$0x10];
	v11 =	vor.u32 v4, v1;
	v13 =	vor.u32 v4, v5;
	v4 =	vand.u32 $0x3F80, v6  }
0x8f: {  	v62 =	vld [tilespmem:s22+$0xFFFFFFE0];
	v23 =	vand.u32 $0x7F, v23;
	v14 =	vor.u32 v1, v4;
	v16 =	vor.u32 v5, v4  }
0x90: {  	s16 =	simm.s32 $0x4020;
	v6 =	vld [tilespmem:s10+$0x0];
	v5 =	vor.u32 v15, v7;
	v4 =	vor.u32 v15, v8;
	v15 =	vshll.u32 v3, $0x7  }
0x91: {  	v28 =	vor.u32 v24, v23;
	v1 =	vld [tilespmem:s16+$0x10];
	v15 =	vand.u32 $0x3F80, v15  }
0x92: {  	v25 =	vor.u32 v8, v15;
	v8 =	vshrl.u32 v12, $0xE;
	v15 =	vor.u32 v7, v15;
	v7 =	vld [tilespmem:s10+$0xFFFFFFF0]  }
0x93: {  	v19 =	vshrl.u32 v9, $0xE;
	v22 =	vshll.u32 v9, $0x7;
	v37 =	vand.u32 $0x7F, v8;
	v8 =	vld [tilespmem:s16+$0xFFFFFFE0]  }
0x94: {  	v20 =	vshrl.u32 v9, $0x15;
	v33 =	vand.u32 $0x3F80, v22;
	v35 =	vand.u32 $0x7F, v19;
	v17 =	vld.idx.msk [tilespmem:v11+s17+$0x0], $0xffff  }
0x95: {  	v2 =	vshra.s32 v2, $0x1C;
	v20 =	vand.u32 $0x7F, v20;
	v19 =	vor.u32 v35, v33;
	v18 =	vld.idx.msk [tilespmem:v13+s17+$0x0], $0xffff  }
0x96: {  	v2 =	vcvt.s32.f32 v2;
	v34 =	vor.u32 v20, v33;
	v38 =	vld.idx.msk [tilespmem:v28+s17+$0x0], $0xffff  }
0x97: {  	v21 =	vld.idx.msk [tilespmem:v14+s17+$0x0], $0xffff  }
0x98: {  	v3 =	vshra.s32 v3, $0x1C;
	v2 =	vmul.f32 $5.000000000e-01, v2;
	v26 =	vld.idx.msk [tilespmem:v16+s17+$0x0], $0xffff  }
0x99: {  	v29 =	vshll.u32 v12, $0x7;
	v3 =	vcvt.s32.f32 v3;
	v40 =	vor.u32 v24, v37;
	v24 =	vld [tilespmem:s16+$0x0]  }
0x9a: {  	v32 =	vand.u32 $0x3F80, v9;
	v39 =	vsub.f32 v2, v10;
	v2 =	vand.u32 $0x3F80, v29;
	v42 =	vld.idx.msk [tilespmem:v19+s17+$0x0], $0xffff  }
0x9b: {  	v9 =	vshra.s32 v9, $0x1C;
	v23 =	vor.u32 v23, v2;
	v3 =	vmul.f32 $5.000000000e-01, v3;
	v60 =	vld.idx.msk [tilespmem:v34+s17+$0x0], $0xffff  }
0x9c: {  	v22 =	vor.u32 v32, v20;
	v27 =	vld.idx.msk [tilespmem:v5+s17+$0x0], $0xffff;
	v17 =	vmul.f32 v17, v10;
	v18 =	vmul.f32 v18, v39  }
0x9d: {  	v12 =	vshra.s32 v12, $0x1C;
	v31 =	vld.idx.msk [tilespmem:v4+s17+$0x0], $0xffff;
	v21 =	vmul.f32 v21, v10;
	v20 =	vmul.f32 v39, v26  }
0x9e: {  	v12 =	vcvt.s32.f32 v12;
	v36 =	vld.idx.msk [tilespmem:v25+s17+$0x0], $0xffff;
	v26 =	vor.u32 v37, v2;
	v2 =	vadd.f32 v17, v18  }
0x9f: {  	v9 =	vcvt.s32.f32 v9;
	v41 =	vld.idx.msk [tilespmem:v15+s17+$0x0], $0xffff;
	v18 =	vsub.f32 $1.000000000e+00, v8;
	v20 =	vadd.f32 v21, v20  }
0xa0: {  	v35 =	vor.u32 v32, v35;
	v29 =	vsub.f32 v3, v6;
	v12 =	vmul.f32 $5.000000000e-01, v12;
	v3 =	vld.idx.msk [tilespmem:v23+s17+$0x0], $0xffff  }
0xa1: {  	v17 =	vld.idx.msk [tilespmem:v22+s17+$0x0], $0xffff;
	v2 =	vmul.f32 v2, v8;
	v20 =	vmul.f32 v20, v18  }
0xa2: {  	v37 =	vsub.f32 v12, v7;
	v12 =	vmul.f32 $5.000000000e-01, v9;
	v21 =	vld.idx.msk [tilespmem:v40+s17+$0x0], $0xffff  }
0xa3: {  	v43 =	vmul.f32 v36, v6;
	v36 =	vld [tilespmem:s16+$0xFFFFFFF0];
	v2 =	vadd.f32 v2, v20  }
0xa4: {  	s14 =	simm.s32 $0x15000;
	v32 =	vmul.f32 v60, v30;
	v33 =	vsub.f32 v12, v30;
	v20 =	vmul.f32 v27, v29;
	v27 =	vld.idx.msk [tilespmem:v26+s17+$0x0], $0xffff  }
0xa5: {  	v31 =	vmul.f32 v31, v6;
	v41 =	vmul.f32 v29, v41;
	[tilespmem:s14+$0x0] =	vst v2;
	v2 =	vld.idx.msk [tilespmem:v35+s17+$0x0], $0xffff  }
0xa6: {  	v9 =	vsub.f32 $1.000000000e+00, v24;
	v61 =	vmul.f32 v3, v7;
	v42 =	vmul.f32 v33, v42;
	v12 =	vld.idx.msk [tilespmem:v16+s20+$0x0], $0xffff  }
0xa7: {  	v21 =	vmul.f32 v21, v37;
	v20 =	vadd.f32 v31, v20;
	v31 =	vmul.f32 v38, v7;
	v11 =	vld.idx.msk [tilespmem:v11+s20+$0x0], $0xffff  }
0xa8: {  	v3 =	vsub.f32 $1.000000000e+00, v1;
	v17 =	vmul.f32 v17, v30;
	v16 =	vadd.f32 v43, v41;
	v41 =	vld [tilespmem:s22+$0xFFFFFFF0]  }
0xa9: {  	v32 =	vadd.f32 v32, v42;
	v14 =	vld.idx.msk [tilespmem:v14+s20+$0x0], $0xffff;
	v20 =	vmul.f32 v20, v24;
	v21 =	vadd.f32 v31, v21  }
0xaa: {  	v31 =	vld [tilespmem:s22+$0x0];
	v27 =	vmul.f32 v37, v27;
	v16 =	vmul.f32 v16, v9  }
0xab: {  	v38 =	vsub.f32 $1.000000000e+00, v36;
	v32 =	vmul.f32 v32, v3;
	v21 =	vmul.f32 v21, v36  }
0xac: {  	v27 =	vadd.f32 v61, v27;
	v2 =	vmul.f32 v2, v33;
	v16 =	vadd.f32 v20, v16  }
0xad: {  	v43 =	vld [tilespmem:s22+$0x10];
	v12 =	vmul.f32 v12, v39;
	v48 =	vshrl.u32 v41, $0xE;
	v11 =	vmul.f32 v11, v10  }
0xae: {  	v20 =	vld.idx.msk [tilespmem:v13+s20+$0x0], $0xffff;
	v10 =	vmul.f32 v14, v10;
	v14 =	vand.u32 $0x3F80, v62;
	v27 =	vmul.f32 v27, v38;
	[tilespmem:s14+$0x20] =	vst v16  }
0xaf: {  	v17 =	vadd.f32 v17, v2;
	v16 =	vshrl.u32 v31, $0xE;
	v54 =	vand.u32 $0x3F80, v31;
	v49 =	vld.idx.msk [tilespmem:v15+s20+$0x0], $0xffff  }
0xb0: {  	s16 =	simm.s32 $0x3060;
	v15 =	vshll.u32 v41, $0x7;
	v50 =	vld.idx.msk [tilespmem:v25+s20+$0x0], $0xffff;
	v25 =	vshll.u32 v62, $0x7;
	v16 =	vand.u32 $0x7F, v16  }
0xb1: {  	v2 =	vld [tilespmem:s16+$0x0];
	v12 =	vadd.f32 v10, v12;
	v17 =	vmul.f32 v17, v1;
	v13 =	vadd.f32 v21, v27  }
0xb2: {  	v27 =	vshrl.u32 v31, $0x15;
	v10 =	vand.u32 $0x3F80, v25;
	v25 =	vand.u32 $0x7F, v48;
	v48 =	vld.idx.msk [tilespmem:v4+s20+$0x0], $0xffff  }
0xb3: {  	v21 =	vshrl.u32 v62, $0x15;
	v55 =	vand.u32 $0x3F80, v15;
	v20 =	vmul.f32 v20, v39;
	v39 =	vld.idx.msk [tilespmem:v5+s20+$0x0], $0xffff;
	[tilespmem:s14+$0x10] =	vst v13  }
0xb4: {  	v15 =	vshll.u32 v31, $0x7;
	v4 =	vor.u32 v54, v16;
	v27 =	vand.u32 $0x7F, v27;
	v51 =	vld.idx.msk [tilespmem:v26+s20+$0x0], $0xffff  }
0xb5: {  	v56 =	vmul.f32 v12, v18;
	v18 =	vshrl.u32 v41, $0x15;
	v32 =	vadd.f32 v17, v32;
	v23 =	vld.idx.msk [tilespmem:v23+s20+$0x0], $0xffff  }
0xb6: {  	v5 =	vor.u32 v54, v27;
	v26 =	vand.u32 $0x7F, v21;
	v21 =	vshrl.u32 v62, $0xE;
	v40 =	vld.idx.msk [tilespmem:v40+s20+$0x0], $0xffff  }
0xb7: {  	s9 =	simm.s32 $0x4060;
	v28 =	vld.idx.msk [tilespmem:v28+s20+$0x0], $0xffff;
	v11 =	vadd.f32 v11, v20;
	v13 =	vor.u32 v14, v26;
	v53 =	vand.u32 $0x7F, v21  }
0xb8: {  	v26 =	vor.u32 v26, v10;
	v21 =	vor.u32 v14, v53;
	v53 =	vor.u32 v53, v10;
	v10 =	vld [tilespmem:s9+$0x10]  }
0xb9: {  	v42 =	vand.u32 $0x7F, v18;
	v17 =	vand.u32 $0x3F80, v15;
	v20 =	vand.u32 $0x3F80, v41;
	v14 =	vld [tilespmem:s16+$0xFFFFFFE0]  }
0xba: {  	v18 =	vor.u32 v27, v17;
	[tilespmem:s14+$0x30] =	vst v32;
	v59 =	vmul.f32 v11, v8;
	v8 =	vshra.s32 v41, $0x1C;
	v41 =	vld.idx.msk [tilespmem:v4+s17+$0x0], $0xffff  }
0xbb: {  	v44 =	vshrl.u32 v43, $0xE;
	v46 =	vshra.s32 v43, $0x1C;
	v35 =	vld.idx.msk [tilespmem:v35+s20+$0x0], $0xffff  }
0xbc: {  	v45 =	vshrl.u32 v43, $0x15;
	v46 =	vcvt.s32.f32 v46;
	v12 =	vshra.s32 v62, $0x1C;
	v62 =	vld.idx.msk [tilespmem:v5+s17+$0x0], $0xffff  }
0xbd: {  	v52 =	vshra.s32 v31, $0x1C;
	v60 =	vmul.f32 v23, v7;
	v61 =	vmul.f32 v28, v7;
	v7 =	vld [tilespmem:s16+$0xFFFFFFF0]  }
0xbe: {  	v12 =	vcvt.s32.f32 v12;
	v15 =	vor.u32 v20, v42;
	v20 =	vor.u32 v20, v25;
	v28 =	vld [tilespmem:s16+$0x10]  }
0xbf: {  	v23 =	vor.u32 v25, v55;
	v25 =	vor.u32 v16, v17;
	v17 =	vmul.f32 v49, v29;
	v49 =	vld.idx.msk [tilespmem:v18+s17+$0x0], $0xffff  }
0xc0: {  	v47 =	vshll.u32 v43, $0x7;
	v12 =	vmul.f32 $5.000000000e-01, v12;
	v11 =	vcvt.s32.f32 v52;
	v31 =	vld.idx.msk [tilespmem:v13+s17+$0x0], $0xffff  }
0xc1: {  	v47 =	vand.u32 $0x3F80, v47;
	v63 =	vmul.f32 v50, v6;
	v48 =	vmul.f32 v48, v6;
	v57 =	vld.idx.msk [tilespmem:v26+s17+$0x0], $0xffff  }
0xc2: {  	v44 =	vand.u32 $0x7F, v44;
	v8 =	vcvt.s32.f32 v8;
	v52 =	vmul.f32 $5.000000000e-01, v11;
	v54 =	vld.idx.msk [tilespmem:v21+s17+$0x0], $0xffff  }
0xc3: {  	v16 =	vand.u32 $0x3F80, v43;
	v43 =	vand.u32 $0x7F, v45;
	v58 =	vld.idx.msk [tilespmem:v53+s17+$0x0], $0xffff;
	v45 =	vadd.f32 v63, v17  }
0xc4: {  	v8 =	vmul.f32 $5.000000000e-01, v8;
	v6 =	vor.u32 v16, v43;
	v50 =	vld.idx.msk [tilespmem:v15+s17+$0x0], $0xffff;
	v11 =	vor.u32 v16, v44  }
0xc5: {  	v16 =	vor.u32 v43, v47;
	v27 =	vsub.f32 v12, v14;
	v17 =	vld [tilespmem:s9+$0xFFFFFFE0];
	v32 =	vmul.f32 v45, v9  }
0xc6: {  	v12 =	vor.u32 v44, v47;
	v45 =	vmul.f32 v51, v37;
	v51 =	vld.idx.msk [tilespmem:v19+s20+$0x0], $0xffff;
	v19 =	vmul.f32 v40, v37  }
0xc7: {  	v40 =	vld.idx.msk [tilespmem:v20+s17+$0x0], $0xffff;
	v9 =	vsub.f32 v8, v7;
	v31 =	vmul.f32 v31, v14;
	v63 =	vmul.f32 v54, v27  }
0xc8: {  	v8 =	vld [tilespmem:s9+$0x0];
	v57 =	vmul.f32 v57, v14;
	v45 =	vadd.f32 v60, v45;
	v58 =	vmul.f32 v27, v58  }
0xc9: {  	v47 =	vld.idx.msk [tilespmem:v6+s17+$0x0], $0xffff;
	v63 =	vadd.f32 v31, v63;
	v31 =	vor.u32 v42, v55;
	v42 =	vmul.f32 v39, v29  }
0xca: {  	v54 =	vld.idx.msk [tilespmem:v25+s17+$0x0], $0xffff;
	v29 =	vsub.f32 $1.000000000e+00, v17;
	v55 =	vmul.f32 v62, v2;
	v60 =	vadd.f32 v57, v58  }
0xcb: {  	v39 =	vld.idx.msk [tilespmem:v12+s17+$0x0], $0xffff;
	v62 =	vmul.f32 v63, v17;
	v63 =	vmul.f32 v49, v2;
	v49 =	vadd.f32 v61, v19  }
0xcc: {  	v46 =	vmul.f32 $5.000000000e-01, v46;
	v57 =	vld.idx.msk [tilespmem:v34+s20+$0x0], $0xffff;
	v19 =	vsub.f32 v52, v2  }
0xcd: {  	v37 =	vmul.f32 v60, v29;
	v36 =	vmul.f32 v49, v36;
	v49 =	vld.idx.msk [tilespmem:v22+s20+$0x0], $0xffff  }
0xce: {  	v59 =	vadd.f32 v59, v56;
	v45 =	vmul.f32 v45, v38;
	v22 =	vmul.f32 v41, v19;
	v41 =	vld.idx.msk [tilespmem:v16+s17+$0x0], $0xffff  }
0xcf: {  	v38 =	vmul.f32 v50, v7;
	v42 =	vadd.f32 v48, v42;
	v48 =	vadd.f32 v62, v37;
	v44 =	vld.idx.msk [tilespmem:v31+s17+$0x0], $0xffff  }
0xd0: {  	v37 =	vmul.f32 v47, v28;
	v58 =	vmul.f32 v19, v54;
	v60 =	vadd.f32 v36, v45;
	v45 =	vld.idx.msk [tilespmem:v23+s17+$0x0], $0xffff  }
0xd1: {  	s23 =	simm.s32 $0x0;
	s15 =	simm.s32 $0x15040;
	v34 =	vmul.f32 v42, v24;
	v62 =	vmul.f32 v51, v33;
	v61 =	vadd.f32 v55, v22;
	v22 =	vld [tilespmem:s9+$0xFFFFFFF0]  }
0xd2: {  	s10 =	sand.u32 $0xFC0, s23;
	v24 =	vsub.f32 $1.000000000e+00, v8;
	v43 =	vadd.f32 v63, v58;
	v63 =	vmul.f32 v57, v30;
	[tilespmem:s15+$0x0] =	vst v48;
	v48 =	vld.idx.msk [tilespmem:v11+s17+$0x0], $0xffff  }
0xd3: {  	s29 =	simm.s32 $0x40;
	[tilespmem:s10+$0x16000] =	vst v59;
	v47 =	vmul.f32 v35, v33;
	v35 =	vsub.f32 $1.000000000e+00, v10;
	v36 =	vsub.f32 v46, v28;
	v33 =	vld.idx.msk [tilespmem:v53+s20+$0x0], $0xffff  }
0xd4: {  	s31 =	simm.s32 $0x20A0;
	s12 =	simm.s32 $0x40;
	s10 =	simm.s32 $0x15040;
	v42 =	vmul.f32 v61, v8;
	[tilespmem:s14+$0x1010] =	vst v60;
	v46 =	vadd.f32 v63, v62;
	v30 =	vmul.f32 v49, v30  }
.LBB2_5:
0xd5: {  	v26 =	vld.idx.msk [tilespmem:v26+s20+$0x0], $0xffff;
	v44 =	vmul.f32 v44, v7;
	v39 =	vmul.f32 v36, v39;
	s15 =	sadd.s32 $0x40, s15;
	s9 =	sadd.s32 $0x40, s9;
	s16 =	sadd.s32 $0x40, s16;
	v49 =	vadd.f32 v34, v32  }
0xd6: {  	s29 =	sadd.s32 $0x40, s29;
	v40 =	vmul.f32 v40, v9;
	v41 =	vmul.f32 v41, v28;
	v21 =	vld.idx.msk [tilespmem:v21+s20+$0x0], $0xffff;
	v47 =	vadd.f32 v30, v47  }
0xd7: {  	p0 =	slt.u32 s29, $0xFC0;
	v45 =	vmul.f32 v9, v45;
	v3 =	vmul.f32 v46, v3;
	v30 =	vmovc v28;
	v32 =	vld [tilespmem:s31+$0x10];
	v34 =	vsub.f32 $1.000000000e+00, v22;
	[tilespmem:s14+$0x1020] =	vst v49  }
0xd8: {  	v28 =	vadd.f32 v38, v40;
	v38 =	vadd.f32 v41, v39;
	v13 =	vld.idx.msk [tilespmem:v13+s20+$0x0], $0xffff;
	v39 =	vmul.f32 v47, v1  }
0xd9: {  	v43 =	vmul.f32 v43, v24;
	v41 =	vadd.f32 v44, v45;
	v44 =	vmul.f32 v48, v36;
	v1 =	vmovc v10;
	v40 =	vld [tilespmem:s31+$0x0]  }
0xda: {  	v10 =	vmul.f32 v33, v27;
	v28 =	vmul.f32 v28, v22;
	v33 =	vmovc v36;
	v45 =	vld [tilespmem:s31+$0xFFFFFFF0];
	v39 =	vadd.f32 v39, v3  }
0xdb: {  	v38 =	vmul.f32 v38, v35;
	v41 =	vmul.f32 v41, v34;
	v37 =	vadd.f32 v37, v44;
	v3 =	vmovc v35;
	v36 =	vld [tilespmem:s31+$0xFFFFFFE0]  }
0xdc: {  	v35 =	vadd.f32 v42, v43;
	v44 =	vld [tilespmem:s16+$0x0];
	v46 =	vshrl.u32 v32, $0xE;
	v47 =	vshrl.u32 v32, $0x15;
	[tilespmem:s14+$0x1030] =	vst v39;
	s14 =	smov.u32 s10;
	s10 =	smov.u32 s15  }
0xdd: {  	v39 =	vshra.s32 v32, $0x1C;
	v42 =	vshll.u32 v32, $0x7;
	v37 =	vmul.f32 v37, v1  }
0xde: {  	v28 =	vadd.f32 v28, v41;
	v43 =	vshrl.u32 v40, $0xE;
	v48 =	vshrl.u32 v40, $0x15;
	[tilespmem:s14+$0x20] =	vst v35  }
0xdf: {  	v49 =	vmul.f32 v13, v14;
	v35 =	vshrl.u32 v45, $0xE;
	v41 =	vshll.u32 v45, $0x7;
	v50 =	vld.idx.msk [tilespmem:v25+s20+$0x0], $0xffff  }
0xe0: {  	v14 =	vmul.f32 v26, v14;
	v13 =	vshrl.u32 v36, $0x15;
	v25 =	vshll.u32 v36, $0x7;
	[tilespmem:s14+$0x10] =	vst v28;
	v28 =	vld.idx.msk [tilespmem:v18+s20+$0x0], $0xffff  }
0xe1: {  	v51 =	vshra.s32 v40, $0x1C;
	v18 =	vand.u32 $0x3F80, v36;
	v26 =	vand.u32 $0x7F, v13;
	v52 =	vld.idx.msk [tilespmem:v23+s20+$0x0], $0xffff  }
0xe2: {  	v42 =	vand.u32 $0x3F80, v42;
	v23 =	vshrl.u32 v36, $0xE;
	v13 =	vor.u32 v18, v26;
	v31 =	vld.idx.msk [tilespmem:v31+s20+$0x0], $0xffff  }
0xe3: {  	v27 =	vmul.f32 v21, v27;
	v53 =	vand.u32 $0x3F80, v40;
	v23 =	vand.u32 $0x7F, v23;
	v54 =	vld.idx.msk [tilespmem:v20+s20+$0x0], $0xffff  }
0xe4: {  	v43 =	vand.u32 $0x7F, v43;
	v10 =	vadd.f32 v14, v10;
	v21 =	vor.u32 v18, v23;
	v20 =	vld.idx.msk [tilespmem:v15+s20+$0x0], $0xffff  }
0xe5: {  	v14 =	vand.u32 $0x3F80, v25;
	v25 =	vand.u32 $0x7F, v35;
	v15 =	vand.u32 $0x7F, v48;
	v48 =	vld.idx.msk [tilespmem:v4+s20+$0x0], $0xffff  }
0xe6: {  	v41 =	vand.u32 $0x3F80, v41;
	v26 =	vor.u32 v26, v14;
	v35 =	vor.u32 v23, v14;
	v55 =	vld.idx.msk [tilespmem:v5+s20+$0x0], $0xffff  }
0xe7: {  	v56 =	vmul.f32 v10, v29;
	v4 =	vor.u32 v53, v43;
	v5 =	vshll.u32 v40, $0x7  }
0xe8: {  	v14 =	vshra.s32 v36, $0x1C;
	v18 =	vshrl.u32 v45, $0x15;
	v23 =	vadd.f32 v37, v38;
	v10 =	vld [tilespmem:s9+$0x10]  }
0xe9: {  	v29 =	vcvt.s32.f32 v14;
	v37 =	vand.u32 $0x7F, v18;
	v38 =	vand.u32 $0x3F80, v5;
	v36 =	vld.idx.msk [tilespmem:v13+s17+$0x0], $0xffff  }
0xea: {  	v39 =	vcvt.s32.f32 v39;
	v27 =	vadd.f32 v49, v27;
	v5 =	vor.u32 v53, v15;
	v14 =	vld [tilespmem:s16+$0xFFFFFFE0];
	[tilespmem:s14+$0x30] =	vst v23  }
0xeb: {  	v49 =	vand.u32 $0x3F80, v45;
	v29 =	vmul.f32 $5.000000000e-01, v29;
	v18 =	vor.u32 v15, v38;
	v40 =	vld.idx.msk [tilespmem:v21+s17+$0x0], $0xffff  }
0xec: {  	v57 =	vmul.f32 v27, v17;
	v58 =	vmul.f32 v31, v7;
	v15 =	vor.u32 v49, v37;
	v53 =	vld.idx.msk [tilespmem:v26+s17+$0x0], $0xffff  }
0xed: {  	v17 =	vshra.s32 v45, $0x1C;
	v45 =	vmul.f32 v20, v7;
	v23 =	vor.u32 v25, v41;
	v59 =	vld.idx.msk [tilespmem:v35+s17+$0x0], $0xffff  }
0xee: {  	v20 =	vor.u32 v49, v25;
	v25 =	vor.u32 v43, v38;
	v38 =	vmul.f32 v55, v2;
	v43 =	vld.idx.msk [tilespmem:v4+s17+$0x0], $0xffff  }
0xef: {  	v27 =	vcvt.s32.f32 v51;
	v17 =	vcvt.s32.f32 v17;
	v31 =	vand.u32 $0x3F80, v32;
	v49 =	vld.idx.msk [tilespmem:v5+s17+$0x0], $0xffff  }
0xf0: {  	v32 =	vand.u32 $0x7F, v46;
	v46 =	vmul.f32 v50, v19;
	v50 =	vmul.f32 v28, v2;
	v2 =	vmovc v44;
	v7 =	vld [tilespmem:s16+$0xFFFFFFF0]  }
0xf1: {  	v47 =	vand.u32 $0x7F, v47;
	v51 =	vmul.f32 $5.000000000e-01, v27;
	v44 =	vmul.f32 $5.000000000e-01, v17;
	v28 =	vld [tilespmem:s16+$0x10]  }
0xf2: {  	v60 =	vor.u32 v31, v47;
	v46 =	vadd.f32 v50, v46;
	v36 =	vmul.f32 v36, v14;
	v55 =	vld.idx.msk [tilespmem:v18+s17+$0x0], $0xffff  }
0xf3: {  	v27 =	vsub.f32 v29, v14;
	v50 =	vmul.f32 v53, v14;
	v53 =	vld.idx.msk [tilespmem:v15+s17+$0x0], $0xffff  }
0xf4: {  	v61 =	vor.u32 v32, v42;
	v62 =	vor.u32 v31, v32;
	v32 =	vmul.f32 v46, v24;
	v17 =	vld [tilespmem:s9+$0xFFFFFFE0]  }
0xf5: {  	v29 =	vmul.f32 v52, v9;
	v24 =	vmul.f32 v40, v27;
	v40 =	vsub.f32 v44, v7;
	v46 =	vld.idx.msk [tilespmem:v25+s17+$0x0], $0xffff  }
0xf6: {  	v42 =	vor.u32 v47, v42;
	v52 =	vld [tilespmem:s9+$0x0]  }
0xf7: {  	v31 =	vor.u32 v37, v41;
	v19 =	vmul.f32 v48, v19;
	v24 =	vadd.f32 v36, v24;
	v36 =	vld.idx.msk [tilespmem:v60+s17+$0x0], $0xffff  }
0xf8: {  	v47 =	vmul.f32 $5.000000000e-01, v39;
	v41 =	vadd.f32 v58, v29;
	v37 =	vmul.f32 v27, v59;
	v48 =	vld.idx.msk [tilespmem:v12+s20+$0x0], $0xffff;
	v12 =	vmovc v61  }
0xf9: {  	v49 =	vmul.f32 v49, v2;
	v44 =	vmul.f32 v54, v9;
	v9 =	vmovc v40;
	v29 =	vsub.f32 $1.000000000e+00, v17;
	v39 =	vld.idx.msk [tilespmem:v61+s17+$0x0], $0xffff  }
0xfa: {  	v37 =	vadd.f32 v50, v37;
	v54 =	vadd.f32 v38, v19;
	v50 =	vmul.f32 v24, v17;
	v58 =	vld.idx.msk [tilespmem:v16+s20+$0x0], $0xffff  }
0xfb: {  	v55 =	vmul.f32 v55, v2;
	v44 =	vadd.f32 v45, v44;
	v24 =	vsub.f32 $1.000000000e+00, v52;
	v59 =	vld.idx.msk [tilespmem:v11+s20+$0x0], $0xffff;
	v11 =	vmovc v62  }
0xfc: {  	v34 =	vmul.f32 v41, v34;
	v19 =	vsub.f32 v51, v2;
	v37 =	vmul.f32 v37, v29;
	v40 =	vld.idx.msk [tilespmem:v20+s17+$0x0], $0xffff  }
0xfd: {  	v38 =	vmul.f32 v53, v7;
	v22 =	vmul.f32 v44, v22;
	v16 =	vmovc v42;
	v51 =	vld.idx.msk [tilespmem:v6+s20+$0x0], $0xffff;
	v6 =	vmov v60  }
0xfe: {  	v43 =	vmul.f32 v43, v19;
	v50 =	vadd.f32 v50, v37;
	v37 =	vmul.f32 v36, v28;
	v44 =	vld.idx.msk [tilespmem:v31+s17+$0x0], $0xffff  }
.Ltmp1:
0xff: {  	v46 =	vmul.f32 v19, v46;
	v53 =	vadd.f32 v22, v34;
	v41 =	vld.idx.msk [tilespmem:v42+s17+$0x0], $0xffff;
	v42 =	vadd.f32 v57, v56;
	(pc) =	sbr.rel @p0 .LBB2_5-.Ltmp1, $4  }
0x100: {  	s22 =	sand.u32 $0xFC0, s12;
	s12 =	smov.u32 s29;
	v49 =	vadd.f32 v49, v43;
	v34 =	vmul.f32 v54, v8;
	v36 =	vsub.f32 v47, v28;
	v45 =	vld.idx.msk [tilespmem:v23+s17+$0x0], $0xffff  }
0x101: {  	v43 =	vadd.f32 v55, v46;
	v46 =	vmul.f32 v48, v33;
	v54 =	vmul.f32 v58, v30;
	v22 =	vld [tilespmem:s9+$0xFFFFFFF0];
	[tilespmem:s22+$0x16000] =	vst v42  }
0x102: {  	v8 =	vmov v52;
	v47 =	vmul.f32 v59, v33;
	v42 =	vmul.f32 v49, v52;
	[tilespmem:s15+$0x0] =	vst v50;
	v48 =	vld.idx.msk [tilespmem:v62+s17+$0x0], $0xffff  }
0x103: {  	s31 =	sadd.s32 $0x40, s31;
	v46 =	vadd.f32 v54, v46;
	v30 =	vmul.f32 v51, v30;
	v33 =	vld.idx.msk [tilespmem:v35+s20+$0x0], $0xffff;
	v35 =	vsub.f32 $1.000000000e+00, v10;
	[tilespmem:s14+$0x1010] =	vst v53  }
0x104: {  	_ = 	snop  }
0x105: {  	v40 =	vmul.f32 v40, v9;
	v44 =	vmul.f32 v44, v7  }
0x106: {  	v43 =	vmul.f32 v43, v24;
	v45 =	vmul.f32 v9, v45  }
0x107: {  	v38 =	vadd.f32 v38, v40;
	v63 =	vsub.f32 $1.000000000e+00, v22  }
0x108: {  	v26 =	vld.idx.msk [tilespmem:v26+s20+$0x0], $0xffff;
	v39 =	vmul.f32 v36, v39;
	v42 =	vadd.f32 v42, v43;
	v44 =	vadd.f32 v44, v45  }
0x109: {  	v21 =	vld.idx.msk [tilespmem:v21+s20+$0x0], $0xffff;
	v41 =	vmul.f32 v41, v28;
	v49 =	vmul.f32 v48, v36  }
0x10a: {  	v13 =	vld.idx.msk [tilespmem:v13+s20+$0x0], $0xffff;
	v38 =	vmul.f32 v38, v22;
	[tilespmem:s10+$0x20] =	vst v42;
	v44 =	vmul.f32 v44, v63  }
0x10b: {  	v39 =	vadd.f32 v41, v39;
	v25 =	vld.idx.msk [tilespmem:v25+s20+$0x0], $0xffff  }
0x10c: {  	v37 =	vadd.f32 v37, v49;
	v18 =	vld.idx.msk [tilespmem:v18+s20+$0x0], $0xffff;
	v38 =	vadd.f32 v38, v44  }
0x10d: {  	v4 =	vld.idx.msk [tilespmem:v4+s20+$0x0], $0xffff  }
0x10e: {  	v50 =	vmul.f32 v39, v35;
	v5 =	vld.idx.msk [tilespmem:v5+s20+$0x0], $0xffff;
	v37 =	vmul.f32 v37, v10;
	[tilespmem:s10+$0x10] =	vst v38  }
0x10f: {  	v23 =	vld.idx.msk [tilespmem:v23+s20+$0x0], $0xffff  }
0x110: {  	v33 =	vmul.f32 v33, v27;
	v13 =	vmul.f32 v13, v14;
	v37 =	vadd.f32 v37, v50;
	v31 =	vld.idx.msk [tilespmem:v31+s20+$0x0], $0xffff  }
0x111: {  	v14 =	vmul.f32 v26, v14;
	v21 =	vmul.f32 v21, v27;
	v20 =	vld.idx.msk [tilespmem:v20+s20+$0x0], $0xffff  }
0x112: {  	v26 =	vadd.f32 v30, v47;
	v15 =	vld.idx.msk [tilespmem:v15+s20+$0x0], $0xffff;
	[tilespmem:s10+$0x30] =	vst v37  }
0x113: {  	v14 =	vadd.f32 v14, v33;
	v13 =	vadd.f32 v13, v21;
	v12 =	vld.idx.msk [tilespmem:v12+s20+$0x0], $0xffff  }
0x114: {  	v3 =	vmul.f32 v46, v3;
	v1 =	vmul.f32 v26, v1;
	v16 =	vld.idx.msk [tilespmem:v16+s20+$0x0], $0xffff  }
0x115: {  	v14 =	vmul.f32 v14, v29;
	v13 =	vmul.f32 v13, v17;
	v11 =	vld.idx.msk [tilespmem:v11+s20+$0x0], $0xffff  }
0x116: {  	v5 =	vmul.f32 v5, v2;
	v2 =	vmul.f32 v18, v2;
	v6 =	vld.idx.msk [tilespmem:v6+s20+$0x0], $0xffff  }
0x117: {  	v1 =	vadd.f32 v1, v3;
	v3 =	vmul.f32 v4, v19;
	v17 =	vmul.f32 v31, v7  }
0x118: {  	v7 =	vmul.f32 v15, v7;
	v18 =	vmul.f32 v23, v9  }
0x119: {  	v21 =	vadd.f32 v34, v32;
	v15 =	vmul.f32 v25, v19;
	v4 =	vmul.f32 v20, v9  }
0x11a: {  	v9 =	vadd.f32 v17, v18;
	v12 =	vmul.f32 v12, v36;
	v16 =	vmul.f32 v16, v28  }
0x11b: {  	v4 =	vadd.f32 v7, v4;
	v7 =	vmul.f32 v11, v36;
	v6 =	vmul.f32 v6, v28  }
0x11c: {  	v3 =	vadd.f32 v5, v3;
	v2 =	vadd.f32 v2, v15;
	v5 =	vmul.f32 v9, v63  }
0x11d: {  	v4 =	vmul.f32 v4, v22;
	v9 =	vadd.f32 v16, v12;
	v6 =	vadd.f32 v6, v7  }
0x11e: {  	[tilespmem:s14+$0x1020] =	vst v21;
	v3 =	vmul.f32 v3, v8;
	v2 =	vmul.f32 v2, v24;
	v7 =	vadd.f32 v13, v14  }
0x11f: {  	s9 =	sand.u32 $0xFC0, s12;
	[tilespmem:s14+$0x1030] =	vst v1;
	v1 =	vadd.f32 v4, v5;
	v4 =	vmul.f32 v9, v35;
	v5 =	vmul.f32 v6, v10  }
0x120: {  	s12 =	sadd.s32 s5, s8;
	s14 =	sshll.u32 s0, $0x6;
	[tilespmem:s9+$0x16000] =	vst v7;
	v2 =	vadd.f32 v3, v2  }
0x121: {  	p0 =	seq.s32 s0, $0x7;
	s16 =	sand.u32 $0x40, s14;
	s9 =	sshll.u32 s12, $0x9;
	[tilespmem:s10+$0x1010] =	vst v1;
	v1 =	vadd.f32 v5, v4  }
0x122: {  	s8 =	sadd.s32 @!p0 s8, s11;
	s15 =	sadd.s32 s3, s16;
	s14 =	sand.u32 $0x7F000, s9;
	[tilespmem:s10+$0x1020] =	vst v2  }
0x123: {  	s22 =	simm.s32 $0x15000;
	s8 =	sshll.u32 @!p0 s8, $0xE;
	s9 =	sadd.s32 s14, s15;
	[tilespmem:s10+$0x1030] =	vst v1  }
0x124: {  	[hbm4b:s9+s13] =	stream.strided.scatter [tilespmem:s22], [sflag:$0x3], $0x1000, s21, s13, $0x38;
	[tilespmem:$0x19000] =	vst v63  }
0x125: {  	s23 =	simm.s32 $0x16000;
	s8 =	sadd.s32 @!p0 s7, s8;
	s9 =	sadd.s32 $0x10, s9  }
0x126: {  	[hbm4b:s9+s13] =	stream.strided.scatter [tilespmem:s23], [sflag:$0x3], $0x1000, s21, s13, $0x38;
	[tilespmem:$0x19000] =	vst v63  }
0x127: {  	s8 =	sshrl.u32 @!p0 s8, $0x3;
	_ =	swait.ge [sflag:s24], $0x8000  }
0x128: {  	p1 =	seq.s32 @!p0 s0, $0x0;
	s8 =	sadd.s32 @!p0 s1, s8;
	[sflag:s24] =	ssyncset.done $0x0  }
0x129: {  	s10 =	simm.s32 @!p0 $0x5000;
	s9 =	simm.s32 @!p0 $0x0;
	[sflag:s24] =	ssyncadd.s32 $0xFFFF8000  }
0x12a: {  	[tilespmem:s10], [sflag:$0x1] =	stream.linear.gather @!p0 [hbm4b:s8+s9], $0x8000, $0x38;
	[tilespmem:$0x19000] =	vst v63  }
0x12b: {  	p0 =	por p0, !p1  }
0x12c: {  	_ =	swait.ge @p0 [sflag:s30], $0x1000  }
0x12d: {  	[sflag:s30] =	ssyncset.done @p0 $0x0  }
0x12e: {  	[sflag:s30] =	ssyncadd.s32 @p0 $0xFFFFF000  }
0x12f: {  	_ =	swait.ge @p0 [sflag:s30], $0x1000  }
0x130: {  	[sflag:s30] =	ssyncset.done @p0 $0x0  }
0x131: {  	s10 =	simm.s32 $0x2020;
	[sflag:s30] =	ssyncadd.s32 @p0 $0xFFFFF000  }
0x132: {  	v2 =	vld [tilespmem:s10+$0xFFFFFFE0]  }
0x133: {  	v3 =	vld [tilespmem:s10+$0x0]  }
0x134: {  	v9 =	vld [tilespmem:s10+$0x10]  }
0x135: {  	v12 =	vld [tilespmem:s10+$0xFFFFFFF0];
	_ =	sdelay $0x1  }
0x136: {  	v1 =	vshrl.u32 v2, $0x15  }
0x137: {  	s12 =	simm.s32 $0x3020;
	v4 =	vand.u32 $0x3F80, v2;
	v5 =	vshrl.u32 v2, $0xE;
	v6 =	vshll.u32 v2, $0x7  }
0x138: {  	v10 =	vld [tilespmem:s12+$0xFFFFFFE0];
	v7 =	vshrl.u32 v3, $0xE;
	v8 =	vshrl.u32 v3, $0x15;
	v15 =	vand.u32 $0x3F80, v3  }
0x139: {  	s15 =	simm.s32 $0x4020;
	v30 =	vld [tilespmem:s12+$0x10];
	v19 =	vshrl.u32 v9, $0xE;
	v20 =	vshrl.u32 v9, $0x15;
	v23 =	vshrl.u32 v12, $0x15  }
0x13a: {  	s22 =	simm.s32 $0x2060;
	v36 =	vld [tilespmem:s15+$0xFFFFFFF0];
	v1 =	vand.u32 $0x7F, v1;
	v5 =	vand.u32 $0x7F, v5;
	v7 =	vand.u32 $0x7F, v7  }
0x13b: {  	v43 =	vld [tilespmem:s22+$0x10];
	v11 =	vor.u32 v4, v1;
	v13 =	vor.u32 v4, v5;
	v4 =	vand.u32 $0x3F80, v6  }
0x13c: {  	v63 =	vld [tilespmem:s22+$0xFFFFFFE0];
	v8 =	vand.u32 $0x7F, v8;
	v14 =	vor.u32 v1, v4;
	v16 =	vor.u32 v5, v4  }
0x13d: {  	v6 =	vld [tilespmem:s12+$0x0];
	v5 =	vor.u32 v15, v7;
	v4 =	vor.u32 v15, v8;
	v15 =	vshll.u32 v3, $0x7  }
0x13e: {  	v24 =	vand.u32 $0x3F80, v12;
	v23 =	vand.u32 $0x7F, v23;
	v1 =	vld [tilespmem:s15+$0x10];
	v15 =	vand.u32 $0x3F80, v15  }
0x13f: {  	v25 =	vor.u32 v8, v15;
	v8 =	vshrl.u32 v12, $0xE;
	v15 =	vor.u32 v7, v15;
	v7 =	vld [tilespmem:s12+$0xFFFFFFF0]  }
0x140: {  	v22 =	vshll.u32 v9, $0x7;
	v28 =	vor.u32 v24, v23;
	v55 =	vand.u32 $0x7F, v8;
	v8 =	vld [tilespmem:s15+$0xFFFFFFE0]  }
0x141: {  	v2 =	vshra.s32 v2, $0x1C;
	v52 =	vand.u32 $0x3F80, v22;
	v53 =	vand.u32 $0x7F, v19;
	v17 =	vld.idx.msk [tilespmem:v11+s19+$0x0], $0xffff  }
0x142: {  	v2 =	vcvt.s32.f32 v2;
	v20 =	vand.u32 $0x7F, v20;
	v19 =	vor.u32 v53, v52;
	v18 =	vld.idx.msk [tilespmem:v13+s19+$0x0], $0xffff  }
0x143: {  	v34 =	vor.u32 v20, v52;
	v21 =	vld.idx.msk [tilespmem:v14+s19+$0x0], $0xffff  }
0x144: {  	v2 =	vmul.f32 $5.000000000e-01, v2;
	v26 =	vld.idx.msk [tilespmem:v16+s19+$0x0], $0xffff  }
0x145: {  	v29 =	vshll.u32 v12, $0x7;
	v51 =	vand.u32 $0x3F80, v9;
	v9 =	vshra.s32 v9, $0x1C;
	v57 =	vld.idx.msk [tilespmem:v28+s19+$0x0], $0xffff  }
0x146: {  	v3 =	vshra.s32 v3, $0x1C;
	v39 =	vsub.f32 v2, v10;
	v56 =	vor.u32 v24, v55;
	v24 =	vld [tilespmem:s15+$0x0]  }
0x147: {  	v22 =	vor.u32 v51, v20;
	v3 =	vcvt.s32.f32 v3;
	v2 =	vand.u32 $0x3F80, v29;
	v59 =	vld.idx.msk [tilespmem:v19+s19+$0x0], $0xffff  }
0x148: {  	v23 =	vor.u32 v23, v2;
	v60 =	vld.idx.msk [tilespmem:v34+s19+$0x0], $0xffff;
	v17 =	vmul.f32 v17, v10;
	v18 =	vmul.f32 v18, v39  }
0x149: {  	v12 =	vshra.s32 v12, $0x1C;
	v27 =	vld.idx.msk [tilespmem:v5+s19+$0x0], $0xffff;
	v21 =	vmul.f32 v21, v10;
	v20 =	vmul.f32 v39, v26  }
0x14a: {  	v12 =	vcvt.s32.f32 v12;
	v31 =	vld.idx.msk [tilespmem:v4+s19+$0x0], $0xffff;
	v26 =	vor.u32 v55, v2;
	v2 =	vadd.f32 v17, v18  }
0x14b: {  	v3 =	vmul.f32 $5.000000000e-01, v3;
	v54 =	vld.idx.msk [tilespmem:v25+s19+$0x0], $0xffff;
	v18 =	vsub.f32 $1.000000000e+00, v8;
	v20 =	vadd.f32 v21, v20  }
0x14c: {  	v9 =	vcvt.s32.f32 v9;
	v35 =	vor.u32 v51, v53;
	v12 =	vmul.f32 $5.000000000e-01, v12;
	v58 =	vld.idx.msk [tilespmem:v15+s19+$0x0], $0xffff  }
0x14d: {  	v29 =	vsub.f32 v3, v6;
	v3 =	vld.idx.msk [tilespmem:v23+s19+$0x0], $0xffff;
	v2 =	vmul.f32 v2, v8;
	v20 =	vmul.f32 v20, v18  }
0x14e: {  	v37 =	vsub.f32 v12, v7;
	v12 =	vmul.f32 $5.000000000e-01, v9;
	v17 =	vld.idx.msk [tilespmem:v22+s19+$0x0], $0xffff  }
0x14f: {  	v38 =	vsub.f32 $1.000000000e+00, v36;
	v21 =	vld.idx.msk [tilespmem:v56+s19+$0x0], $0xffff;
	v2 =	vadd.f32 v2, v20  }
0x150: {  	s8 =	simm.s32 $0x17000;
	v44 =	vshrl.u32 v43, $0xE;
	v33 =	vsub.f32 v12, v30;
	v20 =	vmul.f32 v27, v29;
	v27 =	vld.idx.msk [tilespmem:v26+s19+$0x0], $0xffff  }
0x151: {  	v9 =	vsub.f32 $1.000000000e+00, v24;
	v32 =	vmul.f32 v60, v30;
	v31 =	vmul.f32 v31, v6;
	[tilespmem:s8+$0x0] =	vst v2;
	v2 =	vld.idx.msk [tilespmem:v35+s19+$0x0], $0xffff  }
0x152: {  	v60 =	vshra.s32 v43, $0x1C;
	v61 =	vmul.f32 v54, v6;
	v41 =	vmul.f32 v29, v58;
	v12 =	vld.idx.msk [tilespmem:v16+s25+$0x0], $0xffff  }
0x153: {  	v42 =	vmul.f32 v33, v59;
	v62 =	vmul.f32 v3, v7;
	v20 =	vadd.f32 v31, v20;
	v11 =	vld.idx.msk [tilespmem:v11+s25+$0x0], $0xffff  }
0x154: {  	v21 =	vmul.f32 v21, v37;
	v31 =	vmul.f32 v57, v7;
	v16 =	vadd.f32 v61, v41;
	v41 =	vld [tilespmem:s22+$0xFFFFFFF0]  }
0x155: {  	v3 =	vsub.f32 $1.000000000e+00, v1;
	v32 =	vadd.f32 v32, v42;
	v14 =	vld.idx.msk [tilespmem:v14+s25+$0x0], $0xffff;
	v20 =	vmul.f32 v20, v24  }
0x156: {  	v21 =	vadd.f32 v31, v21;
	v31 =	vld [tilespmem:s22+$0x0];
	v27 =	vmul.f32 v37, v27;
	v16 =	vmul.f32 v16, v9  }
0x157: {  	v32 =	vmul.f32 v32, v3;
	v17 =	vmul.f32 v17, v30;
	v61 =	vshll.u32 v43, $0x7  }
0x158: {  	v27 =	vadd.f32 v62, v27;
	v2 =	vmul.f32 v2, v33;
	v16 =	vadd.f32 v20, v16  }
0x159: {  	s9 =	simm.s32 $0x3060;
	v21 =	vmul.f32 v21, v36;
	v20 =	vld.idx.msk [tilespmem:v13+s25+$0x0], $0xffff;
	v12 =	vmul.f32 v12, v39;
	v62 =	vshrl.u32 v41, $0xE  }
0x15a: {  	v11 =	vmul.f32 v11, v10;
	v27 =	vmul.f32 v27, v38;
	v17 =	vadd.f32 v17, v2;
	v2 =	vld [tilespmem:s9+$0x0];
	[tilespmem:s8+$0x20] =	vst v16  }
0x15b: {  	v10 =	vmul.f32 v14, v10;
	v14 =	vand.u32 $0x3F80, v63;
	v16 =	vshrl.u32 v31, $0xE;
	v49 =	vld.idx.msk [tilespmem:v15+s25+$0x0], $0xffff  }
0x15c: {  	v54 =	vand.u32 $0x3F80, v31;
	v15 =	vshll.u32 v41, $0x7;
	v50 =	vld.idx.msk [tilespmem:v25+s25+$0x0], $0xffff;
	v13 =	vadd.f32 v21, v27  }
0x15d: {  	v25 =	vshll.u32 v63, $0x7;
	v16 =	vand.u32 $0x7F, v16;
	v12 =	vadd.f32 v10, v12;
	v48 =	vld.idx.msk [tilespmem:v4+s25+$0x0], $0xffff  }
0x15e: {  	v17 =	vmul.f32 v17, v1;
	v27 =	vshrl.u32 v31, $0x15;
	v20 =	vmul.f32 v20, v39;
	v39 =	vld.idx.msk [tilespmem:v5+s25+$0x0], $0xffff;
	[tilespmem:s8+$0x10] =	vst v13  }
0x15f: {  	v21 =	vshrl.u32 v63, $0x15;
	v10 =	vand.u32 $0x3F80, v25;
	v55 =	vand.u32 $0x3F80, v15;
	v51 =	vld.idx.msk [tilespmem:v26+s25+$0x0], $0xffff  }
0x160: {  	v4 =	vor.u32 v54, v16;
	v27 =	vand.u32 $0x7F, v27;
	v32 =	vadd.f32 v17, v32;
	v23 =	vld.idx.msk [tilespmem:v23+s25+$0x0], $0xffff  }
0x161: {  	v5 =	vor.u32 v54, v27;
	v26 =	vand.u32 $0x7F, v21;
	v21 =	vshrl.u32 v63, $0xE;
	v40 =	vld.idx.msk [tilespmem:v56+s25+$0x0], $0xffff  }
0x162: {  	s10 =	simm.s32 $0x4060;
	v28 =	vld.idx.msk [tilespmem:v28+s25+$0x0], $0xffff;
	v11 =	vadd.f32 v11, v20;
	v13 =	vor.u32 v14, v26;
	v53 =	vand.u32 $0x7F, v21  }
0x163: {  	v26 =	vor.u32 v26, v10;
	v21 =	vor.u32 v14, v53;
	v53 =	vor.u32 v53, v10;
	v10 =	vld [tilespmem:s10+$0x10]  }
0x164: {  	v15 =	vshll.u32 v31, $0x7;
	v56 =	vmul.f32 v12, v18;
	v18 =	vshrl.u32 v41, $0x15;
	v14 =	vld [tilespmem:s9+$0xFFFFFFE0]  }
0x165: {  	v20 =	vand.u32 $0x3F80, v41;
	[tilespmem:s8+$0x30] =	vst v32;
	v59 =	vmul.f32 v11, v8;
	v8 =	vshra.s32 v41, $0x1C;
	v41 =	vld.idx.msk [tilespmem:v4+s19+$0x0], $0xffff  }
0x166: {  	v46 =	vcvt.s32.f32 v60;
	v47 =	vand.u32 $0x3F80, v61;
	v17 =	vand.u32 $0x3F80, v15;
	v35 =	vld.idx.msk [tilespmem:v35+s25+$0x0], $0xffff  }
0x167: {  	v25 =	vand.u32 $0x7F, v62;
	v42 =	vand.u32 $0x7F, v18;
	v18 =	vor.u32 v27, v17;
	v62 =	vld.idx.msk [tilespmem:v5+s19+$0x0], $0xffff  }
0x168: {  	v12 =	vshra.s32 v63, $0x1C;
	v60 =	vmul.f32 v23, v7;
	v61 =	vmul.f32 v28, v7;
	v7 =	vld [tilespmem:s9+$0xFFFFFFF0]  }
0x169: {  	v45 =	vshrl.u32 v43, $0x15;
	v52 =	vshra.s32 v31, $0x1C;
	v12 =	vcvt.s32.f32 v12;
	v28 =	vld [tilespmem:s9+$0x10]  }
0x16a: {  	v48 =	vmul.f32 v48, v6;
	v63 =	vmul.f32 v50, v6;
	v15 =	vor.u32 v20, v42;
	v31 =	vld.idx.msk [tilespmem:v13+s19+$0x0], $0xffff  }
0x16b: {  	v20 =	vor.u32 v20, v25;
	v11 =	vcvt.s32.f32 v52;
	v12 =	vmul.f32 $5.000000000e-01, v12;
	v57 =	vld.idx.msk [tilespmem:v26+s19+$0x0], $0xffff  }
0x16c: {  	v23 =	vor.u32 v25, v55;
	v25 =	vor.u32 v16, v17;
	v17 =	vmul.f32 v49, v29;
	v49 =	vld.idx.msk [tilespmem:v18+s19+$0x0], $0xffff  }
0x16d: {  	v44 =	vand.u32 $0x7F, v44;
	v8 =	vcvt.s32.f32 v8;
	v52 =	vmul.f32 $5.000000000e-01, v11;
	v54 =	vld.idx.msk [tilespmem:v21+s19+$0x0], $0xffff  }
0x16e: {  	v16 =	vand.u32 $0x3F80, v43;
	v43 =	vand.u32 $0x7F, v45;
	v58 =	vld.idx.msk [tilespmem:v53+s19+$0x0], $0xffff;
	v45 =	vadd.f32 v63, v17  }
0x16f: {  	v8 =	vmul.f32 $5.000000000e-01, v8;
	v6 =	vor.u32 v16, v43;
	v11 =	vor.u32 v16, v44;
	v50 =	vld.idx.msk [tilespmem:v15+s19+$0x0], $0xffff  }
0x170: {  	v16 =	vor.u32 v43, v47;
	v27 =	vsub.f32 v12, v14;
	v17 =	vld [tilespmem:s10+$0xFFFFFFE0];
	v32 =	vmul.f32 v45, v9  }
0x171: {  	v12 =	vor.u32 v44, v47;
	v45 =	vmul.f32 v51, v37;
	v51 =	vld.idx.msk [tilespmem:v19+s25+$0x0], $0xffff;
	v19 =	vmul.f32 v40, v37  }
0x172: {  	v40 =	vld.idx.msk [tilespmem:v20+s19+$0x0], $0xffff;
	v9 =	vsub.f32 v8, v7;
	v31 =	vmul.f32 v31, v14;
	v63 =	vmul.f32 v54, v27  }
0x173: {  	v8 =	vld [tilespmem:s10+$0x0];
	v57 =	vmul.f32 v57, v14;
	v45 =	vadd.f32 v60, v45;
	v58 =	vmul.f32 v27, v58  }
0x174: {  	v47 =	vld.idx.msk [tilespmem:v6+s19+$0x0], $0xffff;
	v63 =	vadd.f32 v31, v63;
	v31 =	vor.u32 v42, v55;
	v42 =	vmul.f32 v39, v29  }
0x175: {  	v54 =	vld.idx.msk [tilespmem:v25+s19+$0x0], $0xffff;
	v29 =	vsub.f32 $1.000000000e+00, v17;
	v55 =	vmul.f32 v62, v2;
	v60 =	vadd.f32 v57, v58  }
0x176: {  	v39 =	vld.idx.msk [tilespmem:v12+s19+$0x0], $0xffff;
	v62 =	vmul.f32 v63, v17;
	v63 =	vmul.f32 v49, v2;
	v49 =	vadd.f32 v61, v19  }
0x177: {  	v46 =	vmul.f32 $5.000000000e-01, v46;
	v57 =	vld.idx.msk [tilespmem:v34+s25+$0x0], $0xffff;
	v19 =	vsub.f32 v52, v2  }
0x178: {  	v37 =	vmul.f32 v60, v29;
	v36 =	vmul.f32 v49, v36;
	v49 =	vld.idx.msk [tilespmem:v22+s25+$0x0], $0xffff  }
0x179: {  	v59 =	vadd.f32 v59, v56;
	v45 =	vmul.f32 v45, v38;
	v22 =	vmul.f32 v41, v19;
	v41 =	vld.idx.msk [tilespmem:v16+s19+$0x0], $0xffff  }
0x17a: {  	v38 =	vmul.f32 v50, v7;
	v42 =	vadd.f32 v48, v42;
	v48 =	vadd.f32 v62, v37;
	v44 =	vld.idx.msk [tilespmem:v31+s19+$0x0], $0xffff  }
0x17b: {  	v37 =	vmul.f32 v47, v28;
	v58 =	vmul.f32 v19, v54;
	v60 =	vadd.f32 v36, v45;
	v45 =	vld.idx.msk [tilespmem:v23+s19+$0x0], $0xffff  }
0x17c: {  	s29 =	simm.s32 $0x17040;
	s23 =	simm.s32 $0x0;
	v34 =	vmul.f32 v42, v24;
	v62 =	vmul.f32 v51, v33;
	v61 =	vadd.f32 v55, v22;
	v22 =	vld [tilespmem:s10+$0xFFFFFFF0]  }
0x17d: {  	s12 =	sand.u32 $0xFC0, s23;
	v24 =	vsub.f32 $1.000000000e+00, v8;
	v43 =	vadd.f32 v63, v58;
	v63 =	vmul.f32 v57, v30;
	[tilespmem:s29+$0x0] =	vst v48;
	v48 =	vld.idx.msk [tilespmem:v11+s19+$0x0], $0xffff  }
0x17e: {  	s31 =	simm.s32 $0x40;
	[tilespmem:s12+$0x18000] =	vst v59;
	v47 =	vmul.f32 v35, v33;
	v35 =	vsub.f32 $1.000000000e+00, v10;
	v36 =	vsub.f32 v46, v28;
	v33 =	vld.idx.msk [tilespmem:v53+s25+$0x0], $0xffff  }
0x17f: {  	s15 =	simm.s32 $0x40;
	s22 =	simm.s32 $0x20A0;
	s12 =	simm.s32 $0x17040;
	v42 =	vmul.f32 v61, v8;
	[tilespmem:s8+$0x1010] =	vst v60;
	v46 =	vadd.f32 v63, v62;
	v30 =	vmul.f32 v49, v30  }
.LBB2_7:
0x180: {  	v26 =	vld.idx.msk [tilespmem:v26+s25+$0x0], $0xffff;
	v44 =	vmul.f32 v44, v7;
	v39 =	vmul.f32 v36, v39;
	s29 =	sadd.s32 $0x40, s29;
	s10 =	sadd.s32 $0x40, s10;
	s9 =	sadd.s32 $0x40, s9;
	v49 =	vadd.f32 v34, v32  }
0x181: {  	s31 =	sadd.s32 $0x40, s31;
	v40 =	vmul.f32 v40, v9;
	v41 =	vmul.f32 v41, v28;
	v21 =	vld.idx.msk [tilespmem:v21+s25+$0x0], $0xffff;
	v47 =	vadd.f32 v30, v47  }
0x182: {  	p0 =	slt.u32 s31, $0xFC0;
	v45 =	vmul.f32 v9, v45;
	v3 =	vmul.f32 v46, v3;
	v30 =	vmovc v28;
	v32 =	vld [tilespmem:s22+$0x10];
	v34 =	vsub.f32 $1.000000000e+00, v22;
	[tilespmem:s8+$0x1020] =	vst v49  }
0x183: {  	v28 =	vadd.f32 v38, v40;
	v38 =	vadd.f32 v41, v39;
	v13 =	vld.idx.msk [tilespmem:v13+s25+$0x0], $0xffff;
	v39 =	vmul.f32 v47, v1  }
0x184: {  	v43 =	vmul.f32 v43, v24;
	v41 =	vadd.f32 v44, v45;
	v44 =	vmul.f32 v48, v36;
	v1 =	vmovc v10;
	v40 =	vld [tilespmem:s22+$0x0]  }
0x185: {  	v10 =	vmul.f32 v33, v27;
	v28 =	vmul.f32 v28, v22;
	v33 =	vmovc v36;
	v45 =	vld [tilespmem:s22+$0xFFFFFFF0];
	v39 =	vadd.f32 v39, v3  }
0x186: {  	v38 =	vmul.f32 v38, v35;
	v41 =	vmul.f32 v41, v34;
	v37 =	vadd.f32 v37, v44;
	v3 =	vmovc v35;
	v36 =	vld [tilespmem:s22+$0xFFFFFFE0]  }
0x187: {  	v35 =	vadd.f32 v42, v43;
	v44 =	vld [tilespmem:s9+$0x0];
	v46 =	vshrl.u32 v32, $0xE;
	v47 =	vshrl.u32 v32, $0x15;
	[tilespmem:s8+$0x1030] =	vst v39;
	s8 =	smov.u32 s12;
	s12 =	smov.u32 s29  }
0x188: {  	v39 =	vshra.s32 v32, $0x1C;
	v42 =	vshll.u32 v32, $0x7;
	v37 =	vmul.f32 v37, v1  }
0x189: {  	v28 =	vadd.f32 v28, v41;
	v43 =	vshrl.u32 v40, $0xE;
	v48 =	vshrl.u32 v40, $0x15;
	[tilespmem:s8+$0x20] =	vst v35  }
0x18a: {  	v49 =	vmul.f32 v13, v14;
	v35 =	vshrl.u32 v45, $0xE;
	v41 =	vshll.u32 v45, $0x7;
	v50 =	vld.idx.msk [tilespmem:v25+s25+$0x0], $0xffff  }
0x18b: {  	v14 =	vmul.f32 v26, v14;
	v13 =	vshrl.u32 v36, $0x15;
	v25 =	vshll.u32 v36, $0x7;
	[tilespmem:s8+$0x10] =	vst v28;
	v28 =	vld.idx.msk [tilespmem:v18+s25+$0x0], $0xffff  }
0x18c: {  	v51 =	vshra.s32 v40, $0x1C;
	v18 =	vand.u32 $0x3F80, v36;
	v26 =	vand.u32 $0x7F, v13;
	v52 =	vld.idx.msk [tilespmem:v23+s25+$0x0], $0xffff  }
0x18d: {  	v42 =	vand.u32 $0x3F80, v42;
	v23 =	vshrl.u32 v36, $0xE;
	v13 =	vor.u32 v18, v26;
	v31 =	vld.idx.msk [tilespmem:v31+s25+$0x0], $0xffff  }
0x18e: {  	v27 =	vmul.f32 v21, v27;
	v53 =	vand.u32 $0x3F80, v40;
	v23 =	vand.u32 $0x7F, v23;
	v54 =	vld.idx.msk [tilespmem:v20+s25+$0x0], $0xffff  }
0x18f: {  	v43 =	vand.u32 $0x7F, v43;
	v10 =	vadd.f32 v14, v10;
	v21 =	vor.u32 v18, v23;
	v20 =	vld.idx.msk [tilespmem:v15+s25+$0x0], $0xffff  }
0x190: {  	v14 =	vand.u32 $0x3F80, v25;
	v25 =	vand.u32 $0x7F, v35;
	v15 =	vand.u32 $0x7F, v48;
	v48 =	vld.idx.msk [tilespmem:v4+s25+$0x0], $0xffff  }
0x191: {  	v41 =	vand.u32 $0x3F80, v41;
	v26 =	vor.u32 v26, v14;
	v35 =	vor.u32 v23, v14;
	v55 =	vld.idx.msk [tilespmem:v5+s25+$0x0], $0xffff  }
0x192: {  	v56 =	vmul.f32 v10, v29;
	v4 =	vor.u32 v53, v43;
	v5 =	vshll.u32 v40, $0x7  }
0x193: {  	v14 =	vshra.s32 v36, $0x1C;
	v18 =	vshrl.u32 v45, $0x15;
	v23 =	vadd.f32 v37, v38;
	v10 =	vld [tilespmem:s10+$0x10]  }
0x194: {  	v29 =	vcvt.s32.f32 v14;
	v37 =	vand.u32 $0x7F, v18;
	v38 =	vand.u32 $0x3F80, v5;
	v36 =	vld.idx.msk [tilespmem:v13+s19+$0x0], $0xffff  }
0x195: {  	v39 =	vcvt.s32.f32 v39;
	v27 =	vadd.f32 v49, v27;
	v5 =	vor.u32 v53, v15;
	v14 =	vld [tilespmem:s9+$0xFFFFFFE0];
	[tilespmem:s8+$0x30] =	vst v23  }
0x196: {  	v49 =	vand.u32 $0x3F80, v45;
	v29 =	vmul.f32 $5.000000000e-01, v29;
	v18 =	vor.u32 v15, v38;
	v40 =	vld.idx.msk [tilespmem:v21+s19+$0x0], $0xffff  }
0x197: {  	v57 =	vmul.f32 v27, v17;
	v58 =	vmul.f32 v31, v7;
	v15 =	vor.u32 v49, v37;
	v53 =	vld.idx.msk [tilespmem:v26+s19+$0x0], $0xffff  }
0x198: {  	v17 =	vshra.s32 v45, $0x1C;
	v45 =	vmul.f32 v20, v7;
	v23 =	vor.u32 v25, v41;
	v59 =	vld.idx.msk [tilespmem:v35+s19+$0x0], $0xffff  }
0x199: {  	v20 =	vor.u32 v49, v25;
	v25 =	vor.u32 v43, v38;
	v38 =	vmul.f32 v55, v2;
	v43 =	vld.idx.msk [tilespmem:v4+s19+$0x0], $0xffff  }
0x19a: {  	v27 =	vcvt.s32.f32 v51;
	v17 =	vcvt.s32.f32 v17;
	v31 =	vand.u32 $0x3F80, v32;
	v49 =	vld.idx.msk [tilespmem:v5+s19+$0x0], $0xffff  }
0x19b: {  	v32 =	vand.u32 $0x7F, v46;
	v46 =	vmul.f32 v50, v19;
	v50 =	vmul.f32 v28, v2;
	v2 =	vmovc v44;
	v7 =	vld [tilespmem:s9+$0xFFFFFFF0]  }
0x19c: {  	v47 =	vand.u32 $0x7F, v47;
	v51 =	vmul.f32 $5.000000000e-01, v27;
	v44 =	vmul.f32 $5.000000000e-01, v17;
	v28 =	vld [tilespmem:s9+$0x10]  }
0x19d: {  	v60 =	vor.u32 v31, v47;
	v46 =	vadd.f32 v50, v46;
	v36 =	vmul.f32 v36, v14;
	v55 =	vld.idx.msk [tilespmem:v18+s19+$0x0], $0xffff  }
0x19e: {  	v27 =	vsub.f32 v29, v14;
	v50 =	vmul.f32 v53, v14;
	v53 =	vld.idx.msk [tilespmem:v15+s19+$0x0], $0xffff  }
0x19f: {  	v61 =	vor.u32 v32, v42;
	v62 =	vor.u32 v31, v32;
	v32 =	vmul.f32 v46, v24;
	v17 =	vld [tilespmem:s10+$0xFFFFFFE0]  }
0x1a0: {  	v29 =	vmul.f32 v52, v9;
	v24 =	vmul.f32 v40, v27;
	v40 =	vsub.f32 v44, v7;
	v46 =	vld.idx.msk [tilespmem:v25+s19+$0x0], $0xffff  }
0x1a1: {  	v42 =	vor.u32 v47, v42;
	v52 =	vld [tilespmem:s10+$0x0]  }
0x1a2: {  	v31 =	vor.u32 v37, v41;
	v19 =	vmul.f32 v48, v19;
	v24 =	vadd.f32 v36, v24;
	v36 =	vld.idx.msk [tilespmem:v60+s19+$0x0], $0xffff  }
0x1a3: {  	v47 =	vmul.f32 $5.000000000e-01, v39;
	v41 =	vadd.f32 v58, v29;
	v37 =	vmul.f32 v27, v59;
	v48 =	vld.idx.msk [tilespmem:v12+s25+$0x0], $0xffff;
	v12 =	vmovc v61  }
0x1a4: {  	v49 =	vmul.f32 v49, v2;
	v44 =	vmul.f32 v54, v9;
	v9 =	vmovc v40;
	v29 =	vsub.f32 $1.000000000e+00, v17;
	v39 =	vld.idx.msk [tilespmem:v61+s19+$0x0], $0xffff  }
0x1a5: {  	v37 =	vadd.f32 v50, v37;
	v54 =	vadd.f32 v38, v19;
	v50 =	vmul.f32 v24, v17;
	v58 =	vld.idx.msk [tilespmem:v16+s25+$0x0], $0xffff  }
0x1a6: {  	v55 =	vmul.f32 v55, v2;
	v44 =	vadd.f32 v45, v44;
	v24 =	vsub.f32 $1.000000000e+00, v52;
	v59 =	vld.idx.msk [tilespmem:v11+s25+$0x0], $0xffff;
	v11 =	vmovc v62  }
0x1a7: {  	v34 =	vmul.f32 v41, v34;
	v19 =	vsub.f32 v51, v2;
	v37 =	vmul.f32 v37, v29;
	v40 =	vld.idx.msk [tilespmem:v20+s19+$0x0], $0xffff  }
0x1a8: {  	v38 =	vmul.f32 v53, v7;
	v22 =	vmul.f32 v44, v22;
	v16 =	vmovc v42;
	v51 =	vld.idx.msk [tilespmem:v6+s25+$0x0], $0xffff;
	v6 =	vmov v60  }
0x1a9: {  	v43 =	vmul.f32 v43, v19;
	v50 =	vadd.f32 v50, v37;
	v37 =	vmul.f32 v36, v28;
	v44 =	vld.idx.msk [tilespmem:v31+s19+$0x0], $0xffff  }
.Ltmp2:
0x1aa: {  	v46 =	vmul.f32 v19, v46;
	v53 =	vadd.f32 v22, v34;
	v41 =	vld.idx.msk [tilespmem:v42+s19+$0x0], $0xffff;
	v42 =	vadd.f32 v57, v56;
	(pc) =	sbr.rel @p0 .LBB2_7-.Ltmp2, $4  }
0x1ab: {  	s23 =	sand.u32 $0xFC0, s15;
	s15 =	smov.u32 s31;
	v49 =	vadd.f32 v49, v43;
	v34 =	vmul.f32 v54, v8;
	v36 =	vsub.f32 v47, v28;
	v45 =	vld.idx.msk [tilespmem:v23+s19+$0x0], $0xffff  }
0x1ac: {  	v43 =	vadd.f32 v55, v46;
	v46 =	vmul.f32 v48, v33;
	v54 =	vmul.f32 v58, v30;
	v22 =	vld [tilespmem:s10+$0xFFFFFFF0];
	[tilespmem:s23+$0x18000] =	vst v42  }
0x1ad: {  	v8 =	vmov v52;
	v47 =	vmul.f32 v59, v33;
	v42 =	vmul.f32 v49, v52;
	[tilespmem:s29+$0x0] =	vst v50;
	v48 =	vld.idx.msk [tilespmem:v62+s19+$0x0], $0xffff  }
0x1ae: {  	s22 =	sadd.s32 $0x40, s22;
	v46 =	vadd.f32 v54, v46;
	v30 =	vmul.f32 v51, v30;
	v33 =	vld.idx.msk [tilespmem:v35+s25+$0x0], $0xffff;
	v35 =	vsub.f32 $1.000000000e+00, v10;
	[tilespmem:s8+$0x1010] =	vst v53  }
0x1af: {  	_ = 	snop  }
0x1b0: {  	v40 =	vmul.f32 v40, v9;
	v44 =	vmul.f32 v44, v7  }
0x1b1: {  	v43 =	vmul.f32 v43, v24;
	v45 =	vmul.f32 v9, v45  }
0x1b2: {  	v38 =	vadd.f32 v38, v40;
	v63 =	vsub.f32 $1.000000000e+00, v22  }
0x1b3: {  	v26 =	vld.idx.msk [tilespmem:v26+s25+$0x0], $0xffff;
	v39 =	vmul.f32 v36, v39;
	v42 =	vadd.f32 v42, v43;
	v44 =	vadd.f32 v44, v45  }
0x1b4: {  	v21 =	vld.idx.msk [tilespmem:v21+s25+$0x0], $0xffff;
	v41 =	vmul.f32 v41, v28;
	v45 =	vmul.f32 v48, v36  }
0x1b5: {  	v13 =	vld.idx.msk [tilespmem:v13+s25+$0x0], $0xffff;
	v38 =	vmul.f32 v38, v22;
	[tilespmem:s12+$0x20] =	vst v42;
	v44 =	vmul.f32 v44, v63  }
0x1b6: {  	v39 =	vadd.f32 v41, v39;
	v25 =	vld.idx.msk [tilespmem:v25+s25+$0x0], $0xffff  }
0x1b7: {  	v37 =	vadd.f32 v37, v45;
	v18 =	vld.idx.msk [tilespmem:v18+s25+$0x0], $0xffff;
	v38 =	vadd.f32 v38, v44  }
0x1b8: {  	v4 =	vld.idx.msk [tilespmem:v4+s25+$0x0], $0xffff  }
0x1b9: {  	v48 =	vmul.f32 v39, v35;
	v5 =	vld.idx.msk [tilespmem:v5+s25+$0x0], $0xffff;
	v37 =	vmul.f32 v37, v10;
	[tilespmem:s12+$0x10] =	vst v38  }
0x1ba: {  	v23 =	vld.idx.msk [tilespmem:v23+s25+$0x0], $0xffff  }
0x1bb: {  	v33 =	vmul.f32 v33, v27;
	v13 =	vmul.f32 v13, v14;
	v37 =	vadd.f32 v37, v48;
	v31 =	vld.idx.msk [tilespmem:v31+s25+$0x0], $0xffff  }
0x1bc: {  	v49 =	vmul.f32 v26, v14;
	v21 =	vmul.f32 v21, v27;
	v20 =	vld.idx.msk [tilespmem:v20+s25+$0x0], $0xffff  }
0x1bd: {  	v50 =	vadd.f32 v30, v47;
	v15 =	vld.idx.msk [tilespmem:v15+s25+$0x0], $0xffff;
	[tilespmem:s12+$0x30] =	vst v37  }
0x1be: {  	v14 =	vadd.f32 v49, v33;
	v13 =	vadd.f32 v13, v21;
	v12 =	vld.idx.msk [tilespmem:v12+s25+$0x0], $0xffff  }
0x1bf: {  	v3 =	vmul.f32 v46, v3;
	v1 =	vmul.f32 v50, v1;
	v16 =	vld.idx.msk [tilespmem:v16+s25+$0x0], $0xffff  }
0x1c0: {  	v14 =	vmul.f32 v14, v29;
	v13 =	vmul.f32 v13, v17;
	v11 =	vld.idx.msk [tilespmem:v11+s25+$0x0], $0xffff  }
0x1c1: {  	v5 =	vmul.f32 v5, v2;
	v53 =	vmul.f32 v25, v19;
	v6 =	vld.idx.msk [tilespmem:v6+s25+$0x0], $0xffff  }
0x1c2: {  	v1 =	vadd.f32 v1, v3;
	v2 =	vmul.f32 v18, v2;
	v3 =	vmul.f32 v4, v19  }
0x1c3: {  	v51 =	vmul.f32 v31, v7;
	v55 =	vmul.f32 v23, v9  }
0x1c4: {  	v54 =	vadd.f32 v34, v32;
	v52 =	vmul.f32 v15, v7;
	v56 =	vmul.f32 v20, v9  }
0x1c5: {  	v57 =	vadd.f32 v51, v55;
	v12 =	vmul.f32 v12, v36;
	v16 =	vmul.f32 v16, v28  }
0x1c6: {  	v4 =	vadd.f32 v52, v56;
	v58 =	vmul.f32 v11, v36;
	v6 =	vmul.f32 v6, v28  }
0x1c7: {  	v2 =	vadd.f32 v2, v53;
	v3 =	vadd.f32 v5, v3;
	v59 =	vmul.f32 v57, v63  }
0x1c8: {  	v4 =	vmul.f32 v4, v22;
	v60 =	vadd.f32 v16, v12;
	v6 =	vadd.f32 v6, v58  }
0x1c9: {  	[tilespmem:s8+$0x1020] =	vst v54;
	v61 =	vadd.f32 v13, v14;
	v2 =	vmul.f32 v2, v24;
	v3 =	vmul.f32 v3, v8  }
0x1ca: {  	s29 =	sand.u32 $0xFC0, s15;
	[tilespmem:s8+$0x1030] =	vst v1;
	v1 =	vadd.f32 v4, v59;
	v62 =	vmul.f32 v60, v35;
	v63 =	vmul.f32 v6, v10  }
0x1cb: {  	s2 =	sshll.u32 s2, $0x4;
	[tilespmem:s29+$0x18000] =	vst v61;
	v2 =	vadd.f32 v3, v2  }
0x1cc: {  	s0 =	sadd.s32 $0x1, s0;
	s2 =	sand.u32 $0x60, s2;
	[tilespmem:s12+$0x1010] =	vst v1;
	v1 =	vadd.f32 v63, v62  }
0x1cd: {  	p0 =	sne.s32 s0, $0x8;
	s2 =	sadd.s32 s3, s2;
	[tilespmem:s12+$0x1020] =	vst v2  }
.Ltmp3:
0x1ce: {  	s31 =	sadd.s32 s16, s3;
	s2 =	sadd.s32 s14, s2;
	[tilespmem:s12+$0x1030] =	vst v1;
	(pc) =	sbr.rel @p0 .LBB2_4-.Ltmp3, $4  }
0x1cf: {  	[hbm4b:s2+s13] =	stream.strided.scatter [tilespmem:s26], [sflag:$0x4], $0x1000, s21, s13, $0x38;
	[tilespmem:$0x19000] =	vst v63  }
0x1d0: {  	s2 =	sadd.s32 s14, s31  }
0x1d1: {  	s2 =	sadd.s32 $0x30, s2  }
0x1d2: {  	[hbm4b:s2+s13] =	stream.strided.scatter [tilespmem:s28], [sflag:$0x4], $0x1000, s21, s13, $0x38;
	[tilespmem:$0x19000] =	vst v63  }
0x1d3: {  	s0 =	simm.s32 $0x3  }
0x1d4: {  	_ =	swait.ge [sflag:s0], $0x1000  }
0x1d5: {  	[sflag:s0] =	ssyncset.done $0x0  }
0x1d6: {  	[sflag:s0] =	ssyncadd.s32 $0xFFFFF000  }
0x1d7: {  	_ =	swait.ge [sflag:s0], $0x1000  }
0x1d8: {  	[sflag:s0] =	ssyncset.done $0x0  }
0x1d9: {  	[sflag:s0] =	ssyncadd.s32 $0xFFFFF000  }
0x1da: {  	_ =	swait.ge [sflag:s30], $0x1000  }
0x1db: {  	[sflag:s30] =	ssyncset.done $0x0  }
0x1dc: {  	[sflag:s30] =	ssyncadd.s32 $0xFFFFF000  }
0x1dd: {  	_ =	swait.ge [sflag:s30], $0x1000  }
0x1de: {  	s2 =	rddreg [dreg:$0x8]  }
0x1df: {  	s31 =	rddreg [dreg:$0x7];
	s2 =	sadd.s32 $0x1, s2  }
0x1e0: {  	p0 =	sne.s32 s2, s31  }
.Ltmp4:
0x1e1: {  	_ = 	snop;
	(pc) =	sbr.rel @p0 .LBB2_1-.Ltmp4, $3  }
0x1e2: {  	_ =	sdelay $0x1  }
0x1e3: {  	[sflag:s30] =	ssyncset.done $0x0  }
0x1e4: {  	[sflag:s30] =	ssyncadd.s32 $0xFFFFF000  }
0x1e5: {  	_ =	sfence.sel $0x180000  }
0x1e6: {  	[bflag:$0x0] =	sbarrier.arrive $0xFFFF  }
0x1e7: {  	_ =	strace $0x90000047  }
0x1e8: {  	s0 =	stileid.u32;
	[bflag:$0x2] =	sbarrier.arrive $0xFFFF  }
0x1e9: {  	p0 =	sne.s32 s0, $0x0;
	s0 =	rddreg [dreg:$0x3]  }
0x1ea: {  	s0 =	sadd.s32 @!p0 $0x100000, s0  }
0x1eb: {  	[sflag:s0] =	ssyncadd.tile.s32 @!p0 $0x1;
	_ =	shalt  }
.Lfunc_end2:
_tile_overlayer_lowered:
.L_overlay_start_2:
0x1ec: {  	(tag) =	ssettag $0x2  }
0x1ed: {  	s0 =	rddreg [dreg:$0x0];
	s2 =	stileid.u32  }
0x1ee: {  	s1 =	rddreg [dreg:$0x1];
	p0 =	sne.s32 s2, $0x0  }
0x1ef: {  	s3 =	rddreg [dreg:$0x2];
	[bflag:$0x3] =	sbarrier.arrive $0xFFFF;
	s2 =	simm.s32 @!p0 $0x1C05  }
0x1f0: {  	[timem:s3], [sflag:s2] =	dma.local @!p0 [hbm:s0], s1  }
0x1f1: {  	s0 =	simm.s32 @!p0 $0x5  }
0x1f2: {  	_ =	swait.ge @!p0 [sflag:s0], s1  }
0x1f3: {  	s1 =	ssub.s32 @!p0 $0x0, s1;
	[sflag:s0] =	ssyncset.done @!p0 $0x0  }
0x1f4: {  	[sflag:s0] =	ssyncadd.s32 @!p0 s1  }
0x1f5: {  	[bflag:$0x3] =	sbarrier.arrive $0xFFFF  }
0x1f6: {  	_ =	shalt  }

</sc_bundles>
